<compile_context>
chip_gen: v7x
topology: tpu7x:2x2x1
jax: 0.10.2.dev20260603
libtpu: 0.0.44.dev20260713+nightly
codegen_flags: <defaults>
</compile_context>

<pallas_src>
import functools

import jax
import jax.numpy as jnp
from jax import lax
from jax.experimental import pallas as pl
from jax.experimental.pallas import tpu as pltpu
from jax.experimental.pallas import tpu_sc as plsc

_B, _D, _T = 16, 768, 576
_K, _CD = 8192, 64
_KC = 1024
_NKC = _K // _KC
_N = _B * _T

_NC, _NS = 2, 16
_NW = _NC * _NS
_ROWS_W = _N // _NW
_GCH = 96
_NGCH = _ROWS_W // _GCH


def _assign_body(x_ref, w_in_ref, b_in_ref, cb_ref, codes_ref, loss_ref,
                 cbp_ref):
    b = pl.program_id(0)

    @pl.when(b == 0)
    def _():
        cbp_ref[:, :_CD] = cb_ref[...]
        cbp_ref[:, _CD:] = jnp.zeros((_K, 128 - _CD), jnp.float32)

    xb = x_ref[0]
    z = lax.dot_general(xb, w_in_ref[...], (((0,), (0,)), ((), ())),
                        preferred_element_type=jnp.float32)
    z = z + b_in_ref[...]
    zn = jnp.sum(z * z, axis=1, keepdims=True)
    n_win = 4
    wk = _K // n_win
    lane_iota = lax.broadcasted_iota(jnp.int32, (_T, 128), 1)
    rv = ri = sel = None
    for w in range(n_win):
        chunk = cb_ref[w * wk:(w + 1) * wk, :]
        cn = jnp.sum(chunk * chunk, axis=1)[None, :]
        t2n = lax.dot_general(z, -2.0 * chunk, (((1,), (1,)), ((), ())),
                              preferred_element_type=jnp.float32)
        rm = ridx = None
        for cb_i in range(wk // 128):
            sb = (zn + t2n[:, cb_i * 128:(cb_i + 1) * 128]) \
                + cn[:, cb_i * 128:(cb_i + 1) * 128]
            ib = lane_iota + (w * wk + cb_i * 128)
            if cb_i == 0:
                rm, ridx = sb, ib
            else:
                lt = sb < rm
                rm = jnp.minimum(rm, sb)
                ridx = jnp.where(lt, ib, ridx)
        gmin = jnp.min(rm, axis=1, keepdims=True)
        gidx = jnp.min(jnp.where(rm == gmin, ridx, _K), axis=1, keepdims=True)
        gmin_b = gmin.astype(jnp.bfloat16).astype(jnp.float32)
        if w == 0:
            rv, ri, sel = gmin_b, gidx, gmin
        else:
            upd = gmin < rv
            ri = jnp.where(upd, gidx, ri)
            sel = jnp.where(upd, gmin, sel)
            rv = jnp.where(upd, gmin_b, rv)
    codes_ref[0, 0, :] = ri[:, 0]
    partial = jnp.sum(sel)

    @pl.when(b == 0)
    def _():
        loss_ref[0, 0] = partial

    @pl.when(b > 0)
    def _():
        loss_ref[0, 0] = loss_ref[0, 0] + partial


def _assign(x, w_in, b_in, codebook):
    return pl.pallas_call(
        _assign_body,
        grid=(_B,),
        in_specs=[
            pl.BlockSpec((1, _D, _T), lambda b: (b, 0, 0)),
            pl.BlockSpec((_D, _CD), lambda b: (0, 0)),
            pl.BlockSpec((1, _CD), lambda b: (0, 0)),
            pl.BlockSpec((_K, _CD), lambda b: (0, 0)),
        ],
        out_specs=[
            pl.BlockSpec((1, 1, _T), lambda b: (b, 0, 0)),
            pl.BlockSpec(memory_space=pltpu.SMEM),
            pl.BlockSpec((_K, 128), lambda b: (0, 0)),
        ],
        out_shape=[
            jax.ShapeDtypeStruct((_B, 1, _T), jnp.int32),
            jax.ShapeDtypeStruct((1, 1), jnp.float32),
            jax.ShapeDtypeStruct((_K, 128), jnp.float32),
        ],
    )(x, w_in, b_in.reshape(1, _CD), codebook)


def _gather(codebook, codes_flat):
    mesh = plsc.VectorSubcoreMesh(core_axis_name="c", subcore_axis_name="s")

    @functools.partial(
        pl.kernel,
        mesh=mesh,
        out_type=jax.ShapeDtypeStruct((_NW, _NGCH, _GCH, 128), jnp.float32),
        scratch_types=[
            pltpu.VMEM((_NGCH, _GCH), jnp.int32),
            pltpu.VMEM((_NGCH, _GCH, 128), jnp.float32),
            pltpu.SemaphoreType.DMA,
        ],
    )
    def gather_k(cb_hbm, idx_hbm, out_hbm, idx_v, rows_v, sem):
        wid = lax.axis_index("s") * _NC + lax.axis_index("c")
        pltpu.sync_copy(idx_hbm.at[wid], idx_v)
        copies = [pltpu.async_copy(cb_hbm.at[idx_v.at[j]], rows_v.at[j], sem)
                  for j in range(_NGCH)]
        for c in copies:
            c.wait()
        pltpu.sync_copy(rows_v, out_hbm.at[wid])

    idx = codes_flat.reshape(_NW, _NGCH, _GCH)
    out = gather_k(codebook, idx)
    return out.reshape(_N, 128)


def _proj_body(q_ref, w_out_ref, b_out_ref, out_ref):
    qb = q_ref[0][:, :_CD]
    ob = lax.dot_general(w_out_ref[...], qb, (((0,), (1,)), ((), ())),
                         preferred_element_type=jnp.float32)
    out_ref[0] = ob + b_out_ref[...]


def _proj(q, w_out, b_out):
    return pl.pallas_call(
        _proj_body,
        grid=(_B,),
        in_specs=[
            pl.BlockSpec((1, _T, 128), lambda b: (b, 0, 0)),
            pl.BlockSpec((_CD, _D), lambda b: (0, 0)),
            pl.BlockSpec((_D, 1), lambda b: (0, 0)),
        ],
        out_specs=pl.BlockSpec((1, _D, _T), lambda b: (b, 0, 0)),
        out_shape=jax.ShapeDtypeStruct((_B, _D, _T), jnp.float32),
    )(q, w_out, b_out.reshape(_D, 1))


def kernel(x, w_in, b_in, w_out, b_out, codebook):
    codes3, loss11, cbp = _assign(x, w_in, b_in, codebook)
    codes_flat = codes3.reshape(_N)
    q = _gather(cbp, codes_flat)
    out = _proj(q.reshape(_B, _T, 128), w_out, b_out)
    codes_btc = codes3.reshape(_B, _T)
    commit_loss = loss11[0, 0] / jnp.float32(_N * _CD)
    return out, codes_btc, commit_loss

# --- scband reference (transcript-rebuilt; emitter-appended) ---
"""Pipeline reference for scband-vector-quantization-5274219839571 (READ-ONLY COPY).

The authoritative reference and input builder live on the scoring server;
editing this copy changes nothing except your own understanding.
"""

import jax, jax.numpy as jnp
import numpy as np

B, D, T = 16, 768, 576
K, CD = 8192, 64

def setup_inputs(seed: int = 0) -> dict:
    key = jax.random.key(seed)
    ks = jax.random.split(key, 6)
    x = jax.random.normal(ks[0], (B, D, T), dtype=jnp.float32)
    w_in = jax.random.normal(ks[1], (D, CD), dtype=jnp.float32) * 0.02
    b_in = jnp.zeros((CD,), dtype=jnp.float32)
    w_out = jax.random.normal(ks[2], (CD, D), dtype=jnp.float32) * 0.02
    b_out = jnp.zeros((D,), dtype=jnp.float32)
    codebook = jax.random.normal(ks[3], (K, CD), dtype=jnp.float32)
    return {"x": x, "w_in": w_in, "b_in": b_in, "w_out": w_out, "b_out": b_out, "codebook": codebook}

def reference(x, w_in, b_in, w_out, b_out, codebook):
    # x: [B, D, T] channels-first (encodec convention) -> [B, T, D]
    xt = jnp.transpose(x, (0, 2, 1))
    # project_in to codebook_dim
    z = xt @ w_in + b_in  # [B, T, CD]
    zf = z.reshape(-1, z.shape[-1])  # [N, CD]
    # euclidean distances to codebook: ||z||^2 - 2 z e^T + ||e||^2
    dists = (jnp.sum(zf ** 2, axis=1, keepdims=True)
             - 2.0 * (zf @ codebook.T)
             + jnp.sum(codebook ** 2, axis=1)[None, :])  # [N, K]
    codes = jnp.argmin(dists, axis=-1)  # [N]
    quantized = jnp.take(codebook, codes, axis=0)  # gather [N, CD]
    # commitment loss (codebook updated by EMA, so stop grad on quantized)
    commit_loss = jnp.mean((jax.lax.stop_gradient(quantized) - zf) ** 2)
    # straight-through estimator
    q_st = zf + jax.lax.stop_gradient(quantized - zf)
    q = q_st.reshape(z.shape)  # [B, T, CD]
    # project_out back to model dim
    out = q @ w_out + b_out  # [B, T, D]
    out = jnp.transpose(out, (0, 2, 1))  # [B, D, T]
    codes_btc = codes.reshape(x.shape[0], -1)  # [B, T]
    return out, codes_btc, commit_loss

if __name__ == "__main__":
    import jax
    _d = setup_inputs()
    print(jax.jit(kernel)(*tuple(_d.values())))

</pallas_src>

<mosaic_0001>
#map = affine_map<(d0, d1) -> (0, 0)>
#map1 = affine_map<(d0, d1) -> (0, 0, 0)>
#map2 = affine_map<(d0, d1) -> (0, 0, 0, 0)>
module attributes {stable_mosaic.version = 14 : i64} {
  func.func @gather_k(%arg0: i32, %arg1: i32, %arg2: memref<8192x128xf32, #tpu.memory_space<hbm>>, %arg3: memref<32x3x96xi32, #tpu.memory_space<hbm>>, %arg4: memref<32x3x96x128xf32, #tpu.memory_space<hbm>>, %arg5: memref<3x96xi32, #tpu.memory_space<vmem>>, %arg6: memref<3x96x128xf32, #tpu.memory_space<vmem>>, %arg7: memref<!tpu.dma_semaphore, #tpu.memory_space<semaphore_mem>>) attributes {dimension_semantics = [#tpu.dimension_semantics<core_parallel>, #tpu.dimension_semantics<subcore_parallel>], iteration_bounds = array<i64: 2, 16>, scalar_prefetch = 0 : i64, scratch_operands = 3 : i64, tpu.core_type = #tpu.core_type<sc_vector_subcore>, window_params = [{transform_indices = #map}, {transform_indices = #map1}, {transform_indices = #map2}]} {
    %mul3A = arith.constant 2 : i32
    %mul3A_0 = arith.muli %arg1, %mul3A : i32
    %add3A = arith.addi %mul3A_0, %arg0 : i32
    "tpu.region"() ({
      %run_scoped3A = tpu.sem_alloc : memref<!tpu.dma_semaphore, #tpu.memory_space<semaphore_mem>>
      %dma_start3A_71 = arith.constant 0 : i32
      %dma_start3A_72 = arith.constant 0 : i32
      %dma_start3A_73 = tpu.memref_slice %arg3[%add3A, %dma_start3A_71, %dma_start3A_72] : memref<32x3x96xi32, #tpu.memory_space<hbm>> -> memref<1x3x96xi32, #tpu.memory_space<hbm>>
      %dma_start3A_74 = tpu.memref_squeeze %dma_start3A_73 : memref<1x3x96xi32, #tpu.memory_space<hbm>> -> memref<3x96xi32, #tpu.memory_space<hbm>>
      %dma_start3A_75 = arith.constant 0 : i32
      %dma_start3A_76 = arith.constant 0 : i32
      %dma_start3A_77 = tpu.memref_slice %arg3[%add3A, %dma_start3A_75, %dma_start3A_76] : memref<32x3x96xi32, #tpu.memory_space<hbm>> -> memref<1x3x96xi32, #tpu.memory_space<hbm>>
      %dma_start3A_78 = tpu.memref_squeeze %dma_start3A_77 : memref<1x3x96xi32, #tpu.memory_space<hbm>> -> memref<3x96xi32, #tpu.memory_space<hbm>>
      tpu.enqueue_dma source(%dma_start3A_78 : memref<3x96xi32, #tpu.memory_space<hbm>>) target(%arg5 : memref<3x96xi32, #tpu.memory_space<vmem>>) target_semaphore(%run_scoped3A : memref<!tpu.dma_semaphore, #tpu.memory_space<semaphore_mem>>)
      %dma_wait3A_79 = arith.constant 0 : i32
      %dma_wait3A_80 = arith.constant 0 : i32
      %dma_wait3A_81 = tpu.memref_slice %arg3[%add3A, %dma_wait3A_79, %dma_wait3A_80] : memref<32x3x96xi32, #tpu.memory_space<hbm>> -> memref<1x3x96xi32, #tpu.memory_space<hbm>>
      %dma_wait3A_82 = tpu.memref_squeeze %dma_wait3A_81 : memref<1x3x96xi32, #tpu.memory_space<hbm>> -> memref<3x96xi32, #tpu.memory_space<hbm>>
      %dma_wait3A_83 = arith.constant 0 : i32
      %dma_wait3A_84 = arith.constant 0 : i32
      %dma_wait3A_85 = tpu.memref_slice %arg3[%add3A, %dma_wait3A_83, %dma_wait3A_84] : memref<32x3x96xi32, #tpu.memory_space<hbm>> -> memref<1x3x96xi32, #tpu.memory_space<hbm>>
      %dma_wait3A_86 = tpu.memref_squeeze %dma_wait3A_85 : memref<1x3x96xi32, #tpu.memory_space<hbm>> -> memref<3x96xi32, #tpu.memory_space<hbm>>
      tpu.wait_dma2 semaphore(%run_scoped3A : memref<!tpu.dma_semaphore, #tpu.memory_space<semaphore_mem>>) src(%dma_wait3A_86 : memref<3x96xi32, #tpu.memory_space<hbm>>) dst(%arg5 : memref<3x96xi32, #tpu.memory_space<vmem>>)
      tpu.yield
    }) : () -> ()
    %dma_start3A = arith.constant 0 : i32
    %dma_start3A_1 = arith.constant 0 : i32
    %dma_start3A_2 = arith.constant 0 : i32
    %dma_start3A_3 = arith.constant 0 : i32
    %dma_start3A_4 = tpu.memref_slice %arg6[%dma_start3A_1, %dma_start3A_2, %dma_start3A_3] : memref<3x96x128xf32, #tpu.memory_space<vmem>> -> memref<1x96x128xf32, #tpu.memory_space<vmem>>
    %dma_start3A_5 = tpu.memref_squeeze %dma_start3A_4 : memref<1x96x128xf32, #tpu.memory_space<vmem>> -> memref<96x128xf32, #tpu.memory_space<vmem>>
    %dma_start3A_6 = arith.constant 0 : i32
    %dma_start3A_7 = tpu.memref_slice %arg5[%dma_start3A, %dma_start3A_6] : memref<3x96xi32, #tpu.memory_space<vmem>> -> memref<1x96xi32, #tpu.memory_space<vmem>>
    %dma_start3A_8 = tpu.memref_squeeze %dma_start3A_7 : memref<1x96xi32, #tpu.memory_space<vmem>> -> memref<96xi32, #tpu.memory_space<vmem>>
    %dma_start3A_9 = arith.constant 0 : i32
    %dma_start3A_10 = arith.constant 0 : i32
    %dma_start3A_11 = tpu.memref_slice %arg2[%dma_start3A_9, %dma_start3A_10] : memref<8192x128xf32, #tpu.memory_space<hbm>> -> memref<8192x128xf32, #tpu.memory_space<hbm>>
    tpu.enqueue_indirect_dma source(%dma_start3A_11 : memref<8192x128xf32, #tpu.memory_space<hbm>>) target(%dma_start3A_5 : memref<96x128xf32, #tpu.memory_space<vmem>>) offsets(%dma_start3A_8 : memref<96xi32, #tpu.memory_space<vmem>>) semaphore(%arg7 : memref<!tpu.dma_semaphore, #tpu.memory_space<semaphore_mem>>)
    %dma_start3A_12 = arith.constant 1 : i32
    %dma_start3A_13 = arith.constant 1 : i32
    %dma_start3A_14 = arith.constant 0 : i32
    %dma_start3A_15 = arith.constant 0 : i32
    %dma_start3A_16 = tpu.memref_slice %arg6[%dma_start3A_13, %dma_start3A_14, %dma_start3A_15] : memref<3x96x128xf32, #tpu.memory_space<vmem>> -> memref<1x96x128xf32, #tpu.memory_space<vmem>>
    %dma_start3A_17 = tpu.memref_squeeze %dma_start3A_16 : memref<1x96x128xf32, #tpu.memory_space<vmem>> -> memref<96x128xf32, #tpu.memory_space<vmem>>
    %dma_start3A_18 = arith.constant 0 : i32
    %dma_start3A_19 = tpu.memref_slice %arg5[%dma_start3A_12, %dma_start3A_18] : memref<3x96xi32, #tpu.memory_space<vmem>> -> memref<1x96xi32, #tpu.memory_space<vmem>>
    %dma_start3A_20 = tpu.memref_squeeze %dma_start3A_19 : memref<1x96xi32, #tpu.memory_space<vmem>> -> memref<96xi32, #tpu.memory_space<vmem>>
    %dma_start3A_21 = arith.constant 0 : i32
    %dma_start3A_22 = arith.constant 0 : i32
    %dma_start3A_23 = tpu.memref_slice %arg2[%dma_start3A_21, %dma_start3A_22] : memref<8192x128xf32, #tpu.memory_space<hbm>> -> memref<8192x128xf32, #tpu.memory_space<hbm>>
    tpu.enqueue_indirect_dma source(%dma_start3A_23 : memref<8192x128xf32, #tpu.memory_space<hbm>>) target(%dma_start3A_17 : memref<96x128xf32, #tpu.memory_space<vmem>>) offsets(%dma_start3A_20 : memref<96xi32, #tpu.memory_space<vmem>>) semaphore(%arg7 : memref<!tpu.dma_semaphore, #tpu.memory_space<semaphore_mem>>)
    %dma_start3A_24 = arith.constant 2 : i32
    %dma_start3A_25 = arith.constant 2 : i32
    %dma_start3A_26 = arith.constant 0 : i32
    %dma_start3A_27 = arith.constant 0 : i32
    %dma_start3A_28 = tpu.memref_slice %arg6[%dma_start3A_25, %dma_start3A_26, %dma_start3A_27] : memref<3x96x128xf32, #tpu.memory_space<vmem>> -> memref<1x96x128xf32, #tpu.memory_space<vmem>>
    %dma_start3A_29 = tpu.memref_squeeze %dma_start3A_28 : memref<1x96x128xf32, #tpu.memory_space<vmem>> -> memref<96x128xf32, #tpu.memory_space<vmem>>
    %dma_start3A_30 = arith.constant 0 : i32
    %dma_start3A_31 = tpu.memref_slice %arg5[%dma_start3A_24, %dma_start3A_30] : memref<3x96xi32, #tpu.memory_space<vmem>> -> memref<1x96xi32, #tpu.memory_space<vmem>>
    %dma_start3A_32 = tpu.memref_squeeze %dma_start3A_31 : memref<1x96xi32, #tpu.memory_space<vmem>> -> memref<96xi32, #tpu.memory_space<vmem>>
    %dma_start3A_33 = arith.constant 0 : i32
    %dma_start3A_34 = arith.constant 0 : i32
    %dma_start3A_35 = tpu.memref_slice %arg2[%dma_start3A_33, %dma_start3A_34] : memref<8192x128xf32, #tpu.memory_space<hbm>> -> memref<8192x128xf32, #tpu.memory_space<hbm>>
    tpu.enqueue_indirect_dma source(%dma_start3A_35 : memref<8192x128xf32, #tpu.memory_space<hbm>>) target(%dma_start3A_29 : memref<96x128xf32, #tpu.memory_space<vmem>>) offsets(%dma_start3A_32 : memref<96xi32, #tpu.memory_space<vmem>>) semaphore(%arg7 : memref<!tpu.dma_semaphore, #tpu.memory_space<semaphore_mem>>)
    %dma_wait3A = arith.constant 0 : i32
    %dma_wait3A_36 = arith.constant 0 : i32
    %dma_wait3A_37 = arith.constant 0 : i32
    %dma_wait3A_38 = arith.constant 0 : i32
    %dma_wait3A_39 = tpu.memref_slice %arg6[%dma_wait3A_36, %dma_wait3A_37, %dma_wait3A_38] : memref<3x96x128xf32, #tpu.memory_space<vmem>> -> memref<1x96x128xf32, #tpu.memory_space<vmem>>
    %dma_wait3A_40 = tpu.memref_squeeze %dma_wait3A_39 : memref<1x96x128xf32, #tpu.memory_space<vmem>> -> memref<96x128xf32, #tpu.memory_space<vmem>>
    %dma_wait3A_41 = arith.constant 0 : i32
    %dma_wait3A_42 = tpu.memref_slice %arg5[%dma_wait3A, %dma_wait3A_41] : memref<3x96xi32, #tpu.memory_space<vmem>> -> memref<1x96xi32, #tpu.memory_space<vmem>>
    %dma_wait3A_43 = tpu.memref_squeeze %dma_wait3A_42 : memref<1x96xi32, #tpu.memory_space<vmem>> -> memref<96xi32, #tpu.memory_space<vmem>>
    %dma_wait3A_44 = arith.constant 0 : i32
    %dma_wait3A_45 = arith.constant 0 : i32
    %dma_wait3A_46 = tpu.memref_slice %arg2[%dma_wait3A_44, %dma_wait3A_45] : memref<8192x128xf32, #tpu.memory_space<hbm>> -> memref<8192x128xf32, #tpu.memory_space<hbm>>
    tpu.wait_indirect_dma semaphore(%arg7 : memref<!tpu.dma_semaphore, #tpu.memory_space<semaphore_mem>>) src(%dma_wait3A_46 : memref<8192x128xf32, #tpu.memory_space<hbm>>) dst(%dma_wait3A_40 : memref<96x128xf32, #tpu.memory_space<vmem>>)
    %dma_wait3A_47 = arith.constant 1 : i32
    %dma_wait3A_48 = arith.constant 1 : i32
    %dma_wait3A_49 = arith.constant 0 : i32
    %dma_wait3A_50 = arith.constant 0 : i32
    %dma_wait3A_51 = tpu.memref_slice %arg6[%dma_wait3A_48, %dma_wait3A_49, %dma_wait3A_50] : memref<3x96x128xf32, #tpu.memory_space<vmem>> -> memref<1x96x128xf32, #tpu.memory_space<vmem>>
    %dma_wait3A_52 = tpu.memref_squeeze %dma_wait3A_51 : memref<1x96x128xf32, #tpu.memory_space<vmem>> -> memref<96x128xf32, #tpu.memory_space<vmem>>
    %dma_wait3A_53 = arith.constant 0 : i32
    %dma_wait3A_54 = tpu.memref_slice %arg5[%dma_wait3A_47, %dma_wait3A_53] : memref<3x96xi32, #tpu.memory_space<vmem>> -> memref<1x96xi32, #tpu.memory_space<vmem>>
    %dma_wait3A_55 = tpu.memref_squeeze %dma_wait3A_54 : memref<1x96xi32, #tpu.memory_space<vmem>> -> memref<96xi32, #tpu.memory_space<vmem>>
    %dma_wait3A_56 = arith.constant 0 : i32
    %dma_wait3A_57 = arith.constant 0 : i32
    %dma_wait3A_58 = tpu.memref_slice %arg2[%dma_wait3A_56, %dma_wait3A_57] : memref<8192x128xf32, #tpu.memory_space<hbm>> -> memref<8192x128xf32, #tpu.memory_space<hbm>>
    tpu.wait_indirect_dma semaphore(%arg7 : memref<!tpu.dma_semaphore, #tpu.memory_space<semaphore_mem>>) src(%dma_wait3A_58 : memref<8192x128xf32, #tpu.memory_space<hbm>>) dst(%dma_wait3A_52 : memref<96x128xf32, #tpu.memory_space<vmem>>)
    %dma_wait3A_59 = arith.constant 2 : i32
    %dma_wait3A_60 = arith.constant 2 : i32
    %dma_wait3A_61 = arith.constant 0 : i32
    %dma_wait3A_62 = arith.constant 0 : i32
    %dma_wait3A_63 = tpu.memref_slice %arg6[%dma_wait3A_60, %dma_wait3A_61, %dma_wait3A_62] : memref<3x96x128xf32, #tpu.memory_space<vmem>> -> memref<1x96x128xf32, #tpu.memory_space<vmem>>
    %dma_wait3A_64 = tpu.memref_squeeze %dma_wait3A_63 : memref<1x96x128xf32, #tpu.memory_space<vmem>> -> memref<96x128xf32, #tpu.memory_space<vmem>>
    %dma_wait3A_65 = arith.constant 0 : i32
    %dma_wait3A_66 = tpu.memref_slice %arg5[%dma_wait3A_59, %dma_wait3A_65] : memref<3x96xi32, #tpu.memory_space<vmem>> -> memref<1x96xi32, #tpu.memory_space<vmem>>
    %dma_wait3A_67 = tpu.memref_squeeze %dma_wait3A_66 : memref<1x96xi32, #tpu.memory_space<vmem>> -> memref<96xi32, #tpu.memory_space<vmem>>
    %dma_wait3A_68 = arith.constant 0 : i32
    %dma_wait3A_69 = arith.constant 0 : i32
    %dma_wait3A_70 = tpu.memref_slice %arg2[%dma_wait3A_68, %dma_wait3A_69] : memref<8192x128xf32, #tpu.memory_space<hbm>> -> memref<8192x128xf32, #tpu.memory_space<hbm>>
    tpu.wait_indirect_dma semaphore(%arg7 : memref<!tpu.dma_semaphore, #tpu.memory_space<semaphore_mem>>) src(%dma_wait3A_70 : memref<8192x128xf32, #tpu.memory_space<hbm>>) dst(%dma_wait3A_64 : memref<96x128xf32, #tpu.memory_space<vmem>>)
    "tpu.region"() ({
      %run_scoped3A = tpu.sem_alloc : memref<!tpu.dma_semaphore, #tpu.memory_space<semaphore_mem>>
      %dma_start3A_71 = arith.constant 0 : i32
      %dma_start3A_72 = arith.constant 0 : i32
      %dma_start3A_73 = arith.constant 0 : i32
      %dma_start3A_74 = tpu.memref_slice %arg4[%add3A, %dma_start3A_71, %dma_start3A_72, %dma_start3A_73] : memref<32x3x96x128xf32, #tpu.memory_space<hbm>> -> memref<1x3x96x128xf32, #tpu.memory_space<hbm>>
      %dma_start3A_75 = tpu.memref_squeeze %dma_start3A_74 : memref<1x3x96x128xf32, #tpu.memory_space<hbm>> -> memref<3x96x128xf32, #tpu.memory_space<hbm>>
      %dma_start3A_76 = arith.constant 0 : i32
      %dma_start3A_77 = arith.constant 0 : i32
      %dma_start3A_78 = arith.constant 0 : i32
      %dma_start3A_79 = tpu.memref_slice %arg4[%add3A, %dma_start3A_76, %dma_start3A_77, %dma_start3A_78] : memref<32x3x96x128xf32, #tpu.memory_space<hbm>> -> memref<1x3x96x128xf32, #tpu.memory_space<hbm>>
      %dma_start3A_80 = tpu.memref_squeeze %dma_start3A_79 : memref<1x3x96x128xf32, #tpu.memory_space<hbm>> -> memref<3x96x128xf32, #tpu.memory_space<hbm>>
      tpu.enqueue_dma source(%arg6 : memref<3x96x128xf32, #tpu.memory_space<vmem>>) target(%dma_start3A_80 : memref<3x96x128xf32, #tpu.memory_space<hbm>>) target_semaphore(%run_scoped3A : memref<!tpu.dma_semaphore, #tpu.memory_space<semaphore_mem>>)
      %dma_wait3A_81 = arith.constant 0 : i32
      %dma_wait3A_82 = arith.constant 0 : i32
      %dma_wait3A_83 = arith.constant 0 : i32
      %dma_wait3A_84 = tpu.memref_slice %arg4[%add3A, %dma_wait3A_81, %dma_wait3A_82, %dma_wait3A_83] : memref<32x3x96x128xf32, #tpu.memory_space<hbm>> -> memref<1x3x96x128xf32, #tpu.memory_space<hbm>>
      %dma_wait3A_85 = tpu.memref_squeeze %dma_wait3A_84 : memref<1x3x96x128xf32, #tpu.memory_space<hbm>> -> memref<3x96x128xf32, #tpu.memory_space<hbm>>
      %dma_wait3A_86 = arith.constant 0 : i32
      %dma_wait3A_87 = arith.constant 0 : i32
      %dma_wait3A_88 = arith.constant 0 : i32
      %dma_wait3A_89 = tpu.memref_slice %arg4[%add3A, %dma_wait3A_86, %dma_wait3A_87, %dma_wait3A_88] : memref<32x3x96x128xf32, #tpu.memory_space<hbm>> -> memref<1x3x96x128xf32, #tpu.memory_space<hbm>>
      %dma_wait3A_90 = tpu.memref_squeeze %dma_wait3A_89 : memref<1x3x96x128xf32, #tpu.memory_space<hbm>> -> memref<3x96x128xf32, #tpu.memory_space<hbm>>
      tpu.wait_dma2 semaphore(%run_scoped3A : memref<!tpu.dma_semaphore, #tpu.memory_space<semaphore_mem>>) src(%arg6 : memref<3x96x128xf32, #tpu.memory_space<vmem>>) dst(%dma_wait3A_90 : memref<3x96x128xf32, #tpu.memory_space<hbm>>)
      tpu.yield
    }) : () -> ()
    return
  }
}

module attributes {stable_mosaic.version = 14 : i64} {
  func.func @_assign_body(%arg0: i32, %arg1: memref<1x768x576xf32, #tpu.memory_space<vmem>>, %arg2: memref<768x64xf32, #tpu.memory_space<vmem>>, %arg3: memref<1x64xf32, #tpu.memory_space<vmem>>, %arg4: memref<8192x64xf32, #tpu.memory_space<vmem>>, %arg5: memref<1x1x576xi32, #tpu.memory_space<vmem>>, %arg6: memref<1x1xf32, #tpu.memory_space<smem>>, %arg7: memref<8192x128xf32, #tpu.memory_space<vmem>>) attributes {dimension_semantics = [#tpu.dimension_semantics<arbitrary>], iteration_bounds = array<i64: 16>, scalar_prefetch = 0 : i64, scratch_operands = 0 : i64, tpu.core_type = #tpu.core_type<tc>, window_params = [{transform_indices = @transform_0, window_bounds = array<i64: 1, 768, 576>}, {pipeline_mode = #tpu.pipeline_mode<synchronous>, transform_indices = @transform_1, window_bounds = array<i64: 768, 64>}, {pipeline_mode = #tpu.pipeline_mode<synchronous>, transform_indices = @transform_2, window_bounds = array<i64: 1, 64>}, {pipeline_mode = #tpu.pipeline_mode<synchronous>, transform_indices = @transform_3, window_bounds = array<i64: 8192, 64>}, {transform_indices = @transform_4, window_bounds = array<i64: 1, 1, 576>}, {transform_indices = @transform_5, window_bounds = array<i64: 1, 1>}, {pipeline_mode = #tpu.pipeline_mode<synchronous>, transform_indices = @transform_6, window_bounds = array<i64: 8192, 128>}]} {
    %eq3A = arith.constant 0 : i32
    %eq3A_0 = arith.cmpi eq, %arg0, %eq3A : i32
    %convert_element_type3A = arith.extui %eq3A_0 : i1 to i32
    %cond3A = arith.constant 0 : i32
    %cond3A_1 = arith.cmpi ne, %convert_element_type3A, %cond3A : i32
    scf.if %cond3A_1 {
      %get3A_893 = arith.constant 0 : index
      %get3A_894 = arith.constant 0 : index
      %get3A_895 = vector.load %arg4[%get3A_893, %get3A_894] : memref<8192x64xf32, #tpu.memory_space<vmem>>, vector<8192x64xf32>
      %swap3A_896 = arith.constant 0 : index
      %swap3A_897 = arith.constant 0 : index
      %swap3A_898 = vector.load %arg7[%swap3A_896, %swap3A_897] : memref<8192x128xf32, #tpu.memory_space<vmem>>, vector<8192x64xf32>
      tpu.vector_store %arg7[%swap3A_896, %swap3A_897], %get3A_895 {strides = array<i32>} : memref<8192x128xf32, #tpu.memory_space<vmem>>, vector<8192x64xf32>,
      %broadcast_in_dim3A_899 = arith.constant 0.000000e+00 : f32
      %broadcast_in_dim3A_900 = vector.broadcast %broadcast_in_dim3A_899 : f32 to vector<8192x64xf32>
      %swap3A_901 = arith.constant 0 : index
      %swap3A_902 = arith.constant 64 : index
      %swap3A_903 = vector.load %arg7[%swap3A_901, %swap3A_902] : memref<8192x128xf32, #tpu.memory_space<vmem>>, vector<8192x64xf32>
      tpu.vector_store %arg7[%swap3A_901, %swap3A_902], %broadcast_in_dim3A_900 {strides = array<i32>} : memref<8192x128xf32, #tpu.memory_space<vmem>>, vector<8192x64xf32>,
    } else {
    }
    %get3A = arith.constant 0 : index
    %get3A_2 = arith.constant 0 : index
    %get3A_3 = arith.constant 0 : index
    %get3A_4 = vector.load %arg1[%get3A, %get3A_2, %get3A_3] : memref<1x768x576xf32, #tpu.memory_space<vmem>>, vector<1x768x576xf32>
    %get3A_5 = vector.shape_cast %get3A_4 : vector<1x768x576xf32> to vector<768x576xf32>
    %get3A_6 = arith.constant 0 : index
    %get3A_7 = arith.constant 0 : index
    %get3A_8 = vector.load %arg2[%get3A_6, %get3A_7] : memref<768x64xf32, #tpu.memory_space<vmem>>, vector<768x64xf32>
    %dot_general3A = arith.constant dense<0.000000e+00> : vector<576x64xf32>
    %dot_general3A_9 = tpu.matmul %get3A_5, %get3A_8, %dot_general3A {dimension_numbers = #tpu.dot_dimension_numbers<[0], [0], [1], [1], [0, 1, 1, 1], [], []>, transpose_lhs_hint = false} : vector<768x576xf32>, vector<768x64xf32>, vector<576x64xf32> -> vector<576x64xf32>
    %get3A_10 = arith.constant 0 : index
    %get3A_11 = arith.constant 0 : index
    %get3A_12 = vector.load %arg3[%get3A_10, %get3A_11] : memref<1x64xf32, #tpu.memory_space<vmem>>, vector<1x64xf32>
    %add3A = vector.broadcast %get3A_12 : vector<1x64xf32> to vector<576x64xf32>
    %add3A_13 = arith.addf %dot_general3A_9, %add3A : vector<576x64xf32>
    %mul3A = arith.mulf %add3A_13, %add3A_13 : vector<576x64xf32>
    %reduce_sum3A = arith.constant dense<0.000000e+00> : vector<576xf32>
    %reduce_sum3A_14 = vector.multi_reduction <add>, %mul3A, %reduce_sum3A [1] : vector<576x64xf32> to vector<576xf32>
    %broadcast_in_dim3A = vector.shape_cast %reduce_sum3A_14 : vector<576xf32> to vector<576x1xf32>
    %iota3A = tpu.iota {dimensions = array<i32: 1>} : vector<576x128xi32>
    %get3A_15 = arith.constant 0 : index
    %get3A_16 = arith.constant 0 : index
    %get3A_17 = vector.load %arg4[%get3A_15, %get3A_16] : memref<8192x64xf32, #tpu.memory_space<vmem>>, vector<2048x64xf32>
    %mul3A_18 = arith.mulf %get3A_17, %get3A_17 : vector<2048x64xf32>
    %reduce_sum3A_19 = arith.constant dense<0.000000e+00> : vector<2048xf32>
    %reduce_sum3A_20 = vector.multi_reduction <add>, %mul3A_18, %reduce_sum3A_19 [1] : vector<2048x64xf32> to vector<2048xf32>
    %broadcast_in_dim3A_21 = vector.shape_cast %reduce_sum3A_20 : vector<2048xf32> to vector<1x2048xf32>
    %mul3A_22 = arith.constant -2.000000e+00 : f32
    %mul3A_23 = vector.broadcast %mul3A_22 : f32 to vector<2048x64xf32>
    %mul3A_24 = arith.mulf %mul3A_23, %get3A_17 : vector<2048x64xf32>
    %dot_general3A_25 = arith.constant dense<0.000000e+00> : vector<576x2048xf32>
    %dot_general3A_26 = tpu.matmul %add3A_13, %mul3A_24, %dot_general3A_25 {dimension_numbers = #tpu.dot_dimension_numbers<[1], [1], [0], [0], [0, 0, 1, 0], [], []>, transpose_lhs_hint = false} : vector<576x64xf32>, vector<2048x64xf32>, vector<576x2048xf32> -> vector<576x2048xf32>
    %slice3A = vector.extract_strided_slice %dot_general3A_26 {offsets = [0, 0], sizes = [576, 128], strides = [1, 1]} : vector<576x2048xf32> to vector<576x128xf32>
    %add3A_27 = vector.broadcast %broadcast_in_dim3A : vector<576x1xf32> to vector<576x128xf32>
    %add3A_28 = arith.addf %add3A_27, %slice3A : vector<576x128xf32>
    %slice3A_29 = vector.extract_strided_slice %broadcast_in_dim3A_21 {offsets = [0, 0], sizes = [1, 128], strides = [1, 1]} : vector<1x2048xf32> to vector<1x128xf32>
    %add3A_30 = vector.broadcast %slice3A_29 : vector<1x128xf32> to vector<576x128xf32>
    %add3A_31 = arith.addf %add3A_28, %add3A_30 : vector<576x128xf32>
    %add3A_32 = arith.constant 0 : i32
    %add3A_33 = vector.broadcast %add3A_32 : i32 to vector<576x128xi32>
    %add3A_34 = arith.addi %iota3A, %add3A_33 : vector<576x128xi32>
    %slice3A_35 = vector.extract_strided_slice %dot_general3A_26 {offsets = [0, 128], sizes = [576, 128], strides = [1, 1]} : vector<576x2048xf32> to vector<576x128xf32>
    %add3A_36 = vector.broadcast %broadcast_in_dim3A : vector<576x1xf32> to vector<576x128xf32>
    %add3A_37 = arith.addf %add3A_36, %slice3A_35 : vector<576x128xf32>
    %slice3A_38 = vector.extract_strided_slice %broadcast_in_dim3A_21 {offsets = [0, 128], sizes = [1, 128], strides = [1, 1]} : vector<1x2048xf32> to vector<1x128xf32>
    %add3A_39 = vector.broadcast %slice3A_38 : vector<1x128xf32> to vector<576x128xf32>
    %add3A_40 = arith.addf %add3A_37, %add3A_39 : vector<576x128xf32>
    %add3A_41 = arith.constant 128 : i32
    %add3A_42 = vector.broadcast %add3A_41 : i32 to vector<576x128xi32>
    %add3A_43 = arith.addi %iota3A, %add3A_42 : vector<576x128xi32>
    %lt3A = arith.cmpf olt, %add3A_40, %add3A_31 : vector<576x128xf32>
    %min3A = arith.minimumf %add3A_31, %add3A_40 : vector<576x128xf32>
    %select_n3A = arith.select %lt3A, %add3A_43, %add3A_34 : vector<576x128xi1>, vector<576x128xi32>
    %slice3A_44 = vector.extract_strided_slice %dot_general3A_26 {offsets = [0, 256], sizes = [576, 128], strides = [1, 1]} : vector<576x2048xf32> to vector<576x128xf32>
    %add3A_45 = vector.broadcast %broadcast_in_dim3A : vector<576x1xf32> to vector<576x128xf32>
    %add3A_46 = arith.addf %add3A_45, %slice3A_44 : vector<576x128xf32>
    %slice3A_47 = vector.extract_strided_slice %broadcast_in_dim3A_21 {offsets = [0, 256], sizes = [1, 128], strides = [1, 1]} : vector<1x2048xf32> to vector<1x128xf32>
    %add3A_48 = vector.broadcast %slice3A_47 : vector<1x128xf32> to vector<576x128xf32>
    %add3A_49 = arith.addf %add3A_46, %add3A_48 : vector<576x128xf32>
    %add3A_50 = arith.constant 256 : i32
    %add3A_51 = vector.broadcast %add3A_50 : i32 to vector<576x128xi32>
    %add3A_52 = arith.addi %iota3A, %add3A_51 : vector<576x128xi32>
    %lt3A_53 = arith.cmpf olt, %add3A_49, %min3A : vector<576x128xf32>
    %min3A_54 = arith.minimumf %min3A, %add3A_49 : vector<576x128xf32>
    %select_n3A_55 = arith.select %lt3A_53, %add3A_52, %select_n3A : vector<576x128xi1>, vector<576x128xi32>
    %slice3A_56 = vector.extract_strided_slice %dot_general3A_26 {offsets = [0, 384], sizes = [576, 128], strides = [1, 1]} : vector<576x2048xf32> to vector<576x128xf32>
    %add3A_57 = vector.broadcast %broadcast_in_dim3A : vector<576x1xf32> to vector<576x128xf32>
    %add3A_58 = arith.addf %add3A_57, %slice3A_56 : vector<576x128xf32>
    %slice3A_59 = vector.extract_strided_slice %broadcast_in_dim3A_21 {offsets = [0, 384], sizes = [1, 128], strides = [1, 1]} : vector<1x2048xf32> to vector<1x128xf32>
    %add3A_60 = vector.broadcast %slice3A_59 : vector<1x128xf32> to vector<576x128xf32>
    %add3A_61 = arith.addf %add3A_58, %add3A_60 : vector<576x128xf32>
    %add3A_62 = arith.constant 384 : i32
    %add3A_63 = vector.broadcast %add3A_62 : i32 to vector<576x128xi32>
    %add3A_64 = arith.addi %iota3A, %add3A_63 : vector<576x128xi32>
    %lt3A_65 = arith.cmpf olt, %add3A_61, %min3A_54 : vector<576x128xf32>
    %min3A_66 = arith.minimumf %min3A_54, %add3A_61 : vector<576x128xf32>
    %select_n3A_67 = arith.select %lt3A_65, %add3A_64, %select_n3A_55 : vector<576x128xi1>, vector<576x128xi32>
    %slice3A_68 = vector.extract_strided_slice %dot_general3A_26 {offsets = [0, 512], sizes = [576, 128], strides = [1, 1]} : vector<576x2048xf32> to vector<576x128xf32>
    %add3A_69 = vector.broadcast %broadcast_in_dim3A : vector<576x1xf32> to vector<576x128xf32>
    %add3A_70 = arith.addf %add3A_69, %slice3A_68 : vector<576x128xf32>
    %slice3A_71 = vector.extract_strided_slice %broadcast_in_dim3A_21 {offsets = [0, 512], sizes = [1, 128], strides = [1, 1]} : vector<1x2048xf32> to vector<1x128xf32>
    %add3A_72 = vector.broadcast %slice3A_71 : vector<1x128xf32> to vector<576x128xf32>
    %add3A_73 = arith.addf %add3A_70, %add3A_72 : vector<576x128xf32>
    %add3A_74 = arith.constant 512 : i32
    %add3A_75 = vector.broadcast %add3A_74 : i32 to vector<576x128xi32>
    %add3A_76 = arith.addi %iota3A, %add3A_75 : vector<576x128xi32>
    %lt3A_77 = arith.cmpf olt, %add3A_73, %min3A_66 : vector<576x128xf32>
    %min3A_78 = arith.minimumf %min3A_66, %add3A_73 : vector<576x128xf32>
    %select_n3A_79 = arith.select %lt3A_77, %add3A_76, %select_n3A_67 : vector<576x128xi1>, vector<576x128xi32>
    %slice3A_80 = vector.extract_strided_slice %dot_general3A_26 {offsets = [0, 640], sizes = [576, 128], strides = [1, 1]} : vector<576x2048xf32> to vector<576x128xf32>
    %add3A_81 = vector.broadcast %broadcast_in_dim3A : vector<576x1xf32> to vector<576x128xf32>
    %add3A_82 = arith.addf %add3A_81, %slice3A_80 : vector<576x128xf32>
    %slice3A_83 = vector.extract_strided_slice %broadcast_in_dim3A_21 {offsets = [0, 640], sizes = [1, 128], strides = [1, 1]} : vector<1x2048xf32> to vector<1x128xf32>
    %add3A_84 = vector.broadcast %slice3A_83 : vector<1x128xf32> to vector<576x128xf32>
    %add3A_85 = arith.addf %add3A_82, %add3A_84 : vector<576x128xf32>
    %add3A_86 = arith.constant 640 : i32
    %add3A_87 = vector.broadcast %add3A_86 : i32 to vector<576x128xi32>
    %add3A_88 = arith.addi %iota3A, %add3A_87 : vector<576x128xi32>
    %lt3A_89 = arith.cmpf olt, %add3A_85, %min3A_78 : vector<576x128xf32>
    %min3A_90 = arith.minimumf %min3A_78, %add3A_85 : vector<576x128xf32>
    %select_n3A_91 = arith.select %lt3A_89, %add3A_88, %select_n3A_79 : vector<576x128xi1>, vector<576x128xi32>
    %slice3A_92 = vector.extract_strided_slice %dot_general3A_26 {offsets = [0, 768], sizes = [576, 128], strides = [1, 1]} : vector<576x2048xf32> to vector<576x128xf32>
    %add3A_93 = vector.broadcast %broadcast_in_dim3A : vector<576x1xf32> to vector<576x128xf32>
    %add3A_94 = arith.addf %add3A_93, %slice3A_92 : vector<576x128xf32>
    %slice3A_95 = vector.extract_strided_slice %broadcast_in_dim3A_21 {offsets = [0, 768], sizes = [1, 128], strides = [1, 1]} : vector<1x2048xf32> to vector<1x128xf32>
    %add3A_96 = vector.broadcast %slice3A_95 : vector<1x128xf32> to vector<576x128xf32>
    %add3A_97 = arith.addf %add3A_94, %add3A_96 : vector<576x128xf32>
    %add3A_98 = arith.constant 768 : i32
    %add3A_99 = vector.broadcast %add3A_98 : i32 to vector<576x128xi32>
    %add3A_100 = arith.addi %iota3A, %add3A_99 : vector<576x128xi32>
    %lt3A_101 = arith.cmpf olt, %add3A_97, %min3A_90 : vector<576x128xf32>
    %min3A_102 = arith.minimumf %min3A_90, %add3A_97 : vector<576x128xf32>
    %select_n3A_103 = arith.select %lt3A_101, %add3A_100, %select_n3A_91 : vector<576x128xi1>, vector<576x128xi32>
    %slice3A_104 = vector.extract_strided_slice %dot_general3A_26 {offsets = [0, 896], sizes = [576, 128], strides = [1, 1]} : vector<576x2048xf32> to vector<576x128xf32>
    %add3A_105 = vector.broadcast %broadcast_in_dim3A : vector<576x1xf32> to vector<576x128xf32>
    %add3A_106 = arith.addf %add3A_105, %slice3A_104 : vector<576x128xf32>
    %slice3A_107 = vector.extract_strided_slice %broadcast_in_dim3A_21 {offsets = [0, 896], sizes = [1, 128], strides = [1, 1]} : vector<1x2048xf32> to vector<1x128xf32>
    %add3A_108 = vector.broadcast %slice3A_107 : vector<1x128xf32> to vector<576x128xf32>
    %add3A_109 = arith.addf %add3A_106, %add3A_108 : vector<576x128xf32>
    %add3A_110 = arith.constant 896 : i32
    %add3A_111 = vector.broadcast %add3A_110 : i32 to vector<576x128xi32>
    %add3A_112 = arith.addi %iota3A, %add3A_111 : vector<576x128xi32>
    %lt3A_113 = arith.cmpf olt, %add3A_109, %min3A_102 : vector<576x128xf32>
    %min3A_114 = arith.minimumf %min3A_102, %add3A_109 : vector<576x128xf32>
    %select_n3A_115 = arith.select %lt3A_113, %add3A_112, %select_n3A_103 : vector<576x128xi1>, vector<576x128xi32>
    %slice3A_116 = vector.extract_strided_slice %dot_general3A_26 {offsets = [0, 1024], sizes = [576, 128], strides = [1, 1]} : vector<576x2048xf32> to vector<576x128xf32>
    %add3A_117 = vector.broadcast %broadcast_in_dim3A : vector<576x1xf32> to vector<576x128xf32>
    %add3A_118 = arith.addf %add3A_117, %slice3A_116 : vector<576x128xf32>
    %slice3A_119 = vector.extract_strided_slice %broadcast_in_dim3A_21 {offsets = [0, 1024], sizes = [1, 128], strides = [1, 1]} : vector<1x2048xf32> to vector<1x128xf32>
    %add3A_120 = vector.broadcast %slice3A_119 : vector<1x128xf32> to vector<576x128xf32>
    %add3A_121 = arith.addf %add3A_118, %add3A_120 : vector<576x128xf32>
    %add3A_122 = arith.constant 1024 : i32
    %add3A_123 = vector.broadcast %add3A_122 : i32 to vector<576x128xi32>
    %add3A_124 = arith.addi %iota3A, %add3A_123 : vector<576x128xi32>
    %lt3A_125 = arith.cmpf olt, %add3A_121, %min3A_114 : vector<576x128xf32>
    %min3A_126 = arith.minimumf %min3A_114, %add3A_121 : vector<576x128xf32>
    %select_n3A_127 = arith.select %lt3A_125, %add3A_124, %select_n3A_115 : vector<576x128xi1>, vector<576x128xi32>
    %slice3A_128 = vector.extract_strided_slice %dot_general3A_26 {offsets = [0, 1152], sizes = [576, 128], strides = [1, 1]} : vector<576x2048xf32> to vector<576x128xf32>
    %add3A_129 = vector.broadcast %broadcast_in_dim3A : vector<576x1xf32> to vector<576x128xf32>
    %add3A_130 = arith.addf %add3A_129, %slice3A_128 : vector<576x128xf32>
    %slice3A_131 = vector.extract_strided_slice %broadcast_in_dim3A_21 {offsets = [0, 1152], sizes = [1, 128], strides = [1, 1]} : vector<1x2048xf32> to vector<1x128xf32>
    %add3A_132 = vector.broadcast %slice3A_131 : vector<1x128xf32> to vector<576x128xf32>
    %add3A_133 = arith.addf %add3A_130, %add3A_132 : vector<576x128xf32>
    %add3A_134 = arith.constant 1152 : i32
    %add3A_135 = vector.broadcast %add3A_134 : i32 to vector<576x128xi32>
    %add3A_136 = arith.addi %iota3A, %add3A_135 : vector<576x128xi32>
    %lt3A_137 = arith.cmpf olt, %add3A_133, %min3A_126 : vector<576x128xf32>
    %min3A_138 = arith.minimumf %min3A_126, %add3A_133 : vector<576x128xf32>
    %select_n3A_139 = arith.select %lt3A_137, %add3A_136, %select_n3A_127 : vector<576x128xi1>, vector<576x128xi32>
    %slice3A_140 = vector.extract_strided_slice %dot_general3A_26 {offsets = [0, 1280], sizes = [576, 128], strides = [1, 1]} : vector<576x2048xf32> to vector<576x128xf32>
    %add3A_141 = vector.broadcast %broadcast_in_dim3A : vector<576x1xf32> to vector<576x128xf32>
    %add3A_142 = arith.addf %add3A_141, %slice3A_140 : vector<576x128xf32>
    %slice3A_143 = vector.extract_strided_slice %broadcast_in_dim3A_21 {offsets = [0, 1280], sizes = [1, 128], strides = [1, 1]} : vector<1x2048xf32> to vector<1x128xf32>
    %add3A_144 = vector.broadcast %slice3A_143 : vector<1x128xf32> to vector<576x128xf32>
    %add3A_145 = arith.addf %add3A_142, %add3A_144 : vector<576x128xf32>
    %add3A_146 = arith.constant 1280 : i32
    %add3A_147 = vector.broadcast %add3A_146 : i32 to vector<576x128xi32>
    %add3A_148 = arith.addi %iota3A, %add3A_147 : vector<576x128xi32>
    %lt3A_149 = arith.cmpf olt, %add3A_145, %min3A_138 : vector<576x128xf32>
    %min3A_150 = arith.minimumf %min3A_138, %add3A_145 : vector<576x128xf32>
    %select_n3A_151 = arith.select %lt3A_149, %add3A_148, %select_n3A_139 : vector<576x128xi1>, vector<576x128xi32>
    %slice3A_152 = vector.extract_strided_slice %dot_general3A_26 {offsets = [0, 1408], sizes = [576, 128], strides = [1, 1]} : vector<576x2048xf32> to vector<576x128xf32>
    %add3A_153 = vector.broadcast %broadcast_in_dim3A : vector<576x1xf32> to vector<576x128xf32>
    %add3A_154 = arith.addf %add3A_153, %slice3A_152 : vector<576x128xf32>
    %slice3A_155 = vector.extract_strided_slice %broadcast_in_dim3A_21 {offsets = [0, 1408], sizes = [1, 128], strides = [1, 1]} : vector<1x2048xf32> to vector<1x128xf32>
    %add3A_156 = vector.broadcast %slice3A_155 : vector<1x128xf32> to vector<576x128xf32>
    %add3A_157 = arith.addf %add3A_154, %add3A_156 : vector<576x128xf32>
    %add3A_158 = arith.constant 1408 : i32
    %add3A_159 = vector.broadcast %add3A_158 : i32 to vector<576x128xi32>
    %add3A_160 = arith.addi %iota3A, %add3A_159 : vector<576x128xi32>
    %lt3A_161 = arith.cmpf olt, %add3A_157, %min3A_150 : vector<576x128xf32>
    %min3A_162 = arith.minimumf %min3A_150, %add3A_157 : vector<576x128xf32>
    %select_n3A_163 = arith.select %lt3A_161, %add3A_160, %select_n3A_151 : vector<576x128xi1>, vector<576x128xi32>
    %slice3A_164 = vector.extract_strided_slice %dot_general3A_26 {offsets = [0, 1536], sizes = [576, 128], strides = [1, 1]} : vector<576x2048xf32> to vector<576x128xf32>
    %add3A_165 = vector.broadcast %broadcast_in_dim3A : vector<576x1xf32> to vector<576x128xf32>
    %add3A_166 = arith.addf %add3A_165, %slice3A_164 : vector<576x128xf32>
    %slice3A_167 = vector.extract_strided_slice %broadcast_in_dim3A_21 {offsets = [0, 1536], sizes = [1, 128], strides = [1, 1]} : vector<1x2048xf32> to vector<1x128xf32>
    %add3A_168 = vector.broadcast %slice3A_167 : vector<1x128xf32> to vector<576x128xf32>
    %add3A_169 = arith.addf %add3A_166, %add3A_168 : vector<576x128xf32>
    %add3A_170 = arith.constant 1536 : i32
    %add3A_171 = vector.broadcast %add3A_170 : i32 to vector<576x128xi32>
    %add3A_172 = arith.addi %iota3A, %add3A_171 : vector<576x128xi32>
    %lt3A_173 = arith.cmpf olt, %add3A_169, %min3A_162 : vector<576x128xf32>
    %min3A_174 = arith.minimumf %min3A_162, %add3A_169 : vector<576x128xf32>
    %select_n3A_175 = arith.select %lt3A_173, %add3A_172, %select_n3A_163 : vector<576x128xi1>, vector<576x128xi32>
    %slice3A_176 = vector.extract_strided_slice %dot_general3A_26 {offsets = [0, 1664], sizes = [576, 128], strides = [1, 1]} : vector<576x2048xf32> to vector<576x128xf32>
    %add3A_177 = vector.broadcast %broadcast_in_dim3A : vector<576x1xf32> to vector<576x128xf32>
    %add3A_178 = arith.addf %add3A_177, %slice3A_176 : vector<576x128xf32>
    %slice3A_179 = vector.extract_strided_slice %broadcast_in_dim3A_21 {offsets = [0, 1664], sizes = [1, 128], strides = [1, 1]} : vector<1x2048xf32> to vector<1x128xf32>
    %add3A_180 = vector.broadcast %slice3A_179 : vector<1x128xf32> to vector<576x128xf32>
    %add3A_181 = arith.addf %add3A_178, %add3A_180 : vector<576x128xf32>
    %add3A_182 = arith.constant 1664 : i32
    %add3A_183 = vector.broadcast %add3A_182 : i32 to vector<576x128xi32>
    %add3A_184 = arith.addi %iota3A, %add3A_183 : vector<576x128xi32>
    %lt3A_185 = arith.cmpf olt, %add3A_181, %min3A_174 : vector<576x128xf32>
    %min3A_186 = arith.minimumf %min3A_174, %add3A_181 : vector<576x128xf32>
    %select_n3A_187 = arith.select %lt3A_185, %add3A_184, %select_n3A_175 : vector<576x128xi1>, vector<576x128xi32>
    %slice3A_188 = vector.extract_strided_slice %dot_general3A_26 {offsets = [0, 1792], sizes = [576, 128], strides = [1, 1]} : vector<576x2048xf32> to vector<576x128xf32>
    %add3A_189 = vector.broadcast %broadcast_in_dim3A : vector<576x1xf32> to vector<576x128xf32>
    %add3A_190 = arith.addf %add3A_189, %slice3A_188 : vector<576x128xf32>
    %slice3A_191 = vector.extract_strided_slice %broadcast_in_dim3A_21 {offsets = [0, 1792], sizes = [1, 128], strides = [1, 1]} : vector<1x2048xf32> to vector<1x128xf32>
    %add3A_192 = vector.broadcast %slice3A_191 : vector<1x128xf32> to vector<576x128xf32>
    %add3A_193 = arith.addf %add3A_190, %add3A_192 : vector<576x128xf32>
    %add3A_194 = arith.constant 1792 : i32
    %add3A_195 = vector.broadcast %add3A_194 : i32 to vector<576x128xi32>
    %add3A_196 = arith.addi %iota3A, %add3A_195 : vector<576x128xi32>
    %lt3A_197 = arith.cmpf olt, %add3A_193, %min3A_186 : vector<576x128xf32>
    %min3A_198 = arith.minimumf %min3A_186, %add3A_193 : vector<576x128xf32>
    %select_n3A_199 = arith.select %lt3A_197, %add3A_196, %select_n3A_187 : vector<576x128xi1>, vector<576x128xi32>
    %slice3A_200 = vector.extract_strided_slice %dot_general3A_26 {offsets = [0, 1920], sizes = [576, 128], strides = [1, 1]} : vector<576x2048xf32> to vector<576x128xf32>
    %add3A_201 = vector.broadcast %broadcast_in_dim3A : vector<576x1xf32> to vector<576x128xf32>
    %add3A_202 = arith.addf %add3A_201, %slice3A_200 : vector<576x128xf32>
    %slice3A_203 = vector.extract_strided_slice %broadcast_in_dim3A_21 {offsets = [0, 1920], sizes = [1, 128], strides = [1, 1]} : vector<1x2048xf32> to vector<1x128xf32>
    %add3A_204 = vector.broadcast %slice3A_203 : vector<1x128xf32> to vector<576x128xf32>
    %add3A_205 = arith.addf %add3A_202, %add3A_204 : vector<576x128xf32>
    %add3A_206 = arith.constant 1920 : i32
    %add3A_207 = vector.broadcast %add3A_206 : i32 to vector<576x128xi32>
    %add3A_208 = arith.addi %iota3A, %add3A_207 : vector<576x128xi32>
    %lt3A_209 = arith.cmpf olt, %add3A_205, %min3A_198 : vector<576x128xf32>
    %min3A_210 = arith.minimumf %min3A_198, %add3A_205 : vector<576x128xf32>
    %select_n3A_211 = arith.select %lt3A_209, %add3A_208, %select_n3A_199 : vector<576x128xi1>, vector<576x128xi32>
    %reduce_min3A = arith.constant dense<0x7F800000> : vector<576xf32>
    %reduce_min3A_212 = vector.multi_reduction <minimumf>, %min3A_210, %reduce_min3A [1] : vector<576x128xf32> to vector<576xf32>
    %broadcast_in_dim3A_213 = vector.shape_cast %reduce_min3A_212 : vector<576xf32> to vector<576x1xf32>
    %eq3A_214 = vector.broadcast %broadcast_in_dim3A_213 : vector<576x1xf32> to vector<576x128xf32>
    %eq3A_215 = arith.cmpf oeq, %min3A_210, %eq3A_214 : vector<576x128xf32>
    %jit3A = arith.constant 8192 : i32
    %broadcast_in_dim3A_216 = vector.broadcast %jit3A : i32 to vector<576x128xi32>
    %select_n3A_217 = arith.select %eq3A_215, %select_n3A_211, %broadcast_in_dim3A_216 : vector<576x128xi1>, vector<576x128xi32>
    %reduce_min3A_218 = arith.constant dense<2147483647> : vector<576xi32>
    %reduce_min3A_219 = vector.multi_reduction <minsi>, %select_n3A_217, %reduce_min3A_218 [1] : vector<576x128xi32> to vector<576xi32>
    %broadcast_in_dim3A_220 = vector.shape_cast %reduce_min3A_219 : vector<576xi32> to vector<576x1xi32>
    %convert_element_type3A_221 = arith.truncf %broadcast_in_dim3A_213 : vector<576x1xf32> to vector<576x1xbf16>
    %convert_element_type3A_222 = arith.extf %convert_element_type3A_221 : vector<576x1xbf16> to vector<576x1xf32>
    %get3A_223 = arith.constant 2048 : index
    %get3A_224 = arith.constant 0 : index
    %get3A_225 = vector.load %arg4[%get3A_223, %get3A_224] : memref<8192x64xf32, #tpu.memory_space<vmem>>, vector<2048x64xf32>
    %mul3A_226 = arith.mulf %get3A_225, %get3A_225 : vector<2048x64xf32>
    %reduce_sum3A_227 = arith.constant dense<0.000000e+00> : vector<2048xf32>
    %reduce_sum3A_228 = vector.multi_reduction <add>, %mul3A_226, %reduce_sum3A_227 [1] : vector<2048x64xf32> to vector<2048xf32>
    %broadcast_in_dim3A_229 = vector.shape_cast %reduce_sum3A_228 : vector<2048xf32> to vector<1x2048xf32>
    %mul3A_230 = arith.constant -2.000000e+00 : f32
    %mul3A_231 = vector.broadcast %mul3A_230 : f32 to vector<2048x64xf32>
    %mul3A_232 = arith.mulf %mul3A_231, %get3A_225 : vector<2048x64xf32>
    %dot_general3A_233 = arith.constant dense<0.000000e+00> : vector<576x2048xf32>
    %dot_general3A_234 = tpu.matmul %add3A_13, %mul3A_232, %dot_general3A_233 {dimension_numbers = #tpu.dot_dimension_numbers<[1], [1], [0], [0], [0, 0, 1, 0], [], []>, transpose_lhs_hint = false} : vector<576x64xf32>, vector<2048x64xf32>, vector<576x2048xf32> -> vector<576x2048xf32>
    %slice3A_235 = vector.extract_strided_slice %dot_general3A_234 {offsets = [0, 0], sizes = [576, 128], strides = [1, 1]} : vector<576x2048xf32> to vector<576x128xf32>
    %add3A_236 = vector.broadcast %broadcast_in_dim3A : vector<576x1xf32> to vector<576x128xf32>
    %add3A_237 = arith.addf %add3A_236, %slice3A_235 : vector<576x128xf32>
    %slice3A_238 = vector.extract_strided_slice %broadcast_in_dim3A_229 {offsets = [0, 0], sizes = [1, 128], strides = [1, 1]} : vector<1x2048xf32> to vector<1x128xf32>
    %add3A_239 = vector.broadcast %slice3A_238 : vector<1x128xf32> to vector<576x128xf32>
    %add3A_240 = arith.addf %add3A_237, %add3A_239 : vector<576x128xf32>
    %add3A_241 = arith.constant 2048 : i32
    %add3A_242 = vector.broadcast %add3A_241 : i32 to vector<576x128xi32>
    %add3A_243 = arith.addi %iota3A, %add3A_242 : vector<576x128xi32>
    %slice3A_244 = vector.extract_strided_slice %dot_general3A_234 {offsets = [0, 128], sizes = [576, 128], strides = [1, 1]} : vector<576x2048xf32> to vector<576x128xf32>
    %add3A_245 = vector.broadcast %broadcast_in_dim3A : vector<576x1xf32> to vector<576x128xf32>
    %add3A_246 = arith.addf %add3A_245, %slice3A_244 : vector<576x128xf32>
    %slice3A_247 = vector.extract_strided_slice %broadcast_in_dim3A_229 {offsets = [0, 128], sizes = [1, 128], strides = [1, 1]} : vector<1x2048xf32> to vector<1x128xf32>
    %add3A_248 = vector.broadcast %slice3A_247 : vector<1x128xf32> to vector<576x128xf32>
    %add3A_249 = arith.addf %add3A_246, %add3A_248 : vector<576x128xf32>
    %add3A_250 = arith.constant 2176 : i32
    %add3A_251 = vector.broadcast %add3A_250 : i32 to vector<576x128xi32>
    %add3A_252 = arith.addi %iota3A, %add3A_251 : vector<576x128xi32>
    %lt3A_253 = arith.cmpf olt, %add3A_249, %add3A_240 : vector<576x128xf32>
    %min3A_254 = arith.minimumf %add3A_240, %add3A_249 : vector<576x128xf32>
    %select_n3A_255 = arith.select %lt3A_253, %add3A_252, %add3A_243 : vector<576x128xi1>, vector<576x128xi32>
    %slice3A_256 = vector.extract_strided_slice %dot_general3A_234 {offsets = [0, 256], sizes = [576, 128], strides = [1, 1]} : vector<576x2048xf32> to vector<576x128xf32>
    %add3A_257 = vector.broadcast %broadcast_in_dim3A : vector<576x1xf32> to vector<576x128xf32>
    %add3A_258 = arith.addf %add3A_257, %slice3A_256 : vector<576x128xf32>
    %slice3A_259 = vector.extract_strided_slice %broadcast_in_dim3A_229 {offsets = [0, 256], sizes = [1, 128], strides = [1, 1]} : vector<1x2048xf32> to vector<1x128xf32>
    %add3A_260 = vector.broadcast %slice3A_259 : vector<1x128xf32> to vector<576x128xf32>
    %add3A_261 = arith.addf %add3A_258, %add3A_260 : vector<576x128xf32>
    %add3A_262 = arith.constant 2304 : i32
    %add3A_263 = vector.broadcast %add3A_262 : i32 to vector<576x128xi32>
    %add3A_264 = arith.addi %iota3A, %add3A_263 : vector<576x128xi32>
    %lt3A_265 = arith.cmpf olt, %add3A_261, %min3A_254 : vector<576x128xf32>
    %min3A_266 = arith.minimumf %min3A_254, %add3A_261 : vector<576x128xf32>
    %select_n3A_267 = arith.select %lt3A_265, %add3A_264, %select_n3A_255 : vector<576x128xi1>, vector<576x128xi32>
    %slice3A_268 = vector.extract_strided_slice %dot_general3A_234 {offsets = [0, 384], sizes = [576, 128], strides = [1, 1]} : vector<576x2048xf32> to vector<576x128xf32>
    %add3A_269 = vector.broadcast %broadcast_in_dim3A : vector<576x1xf32> to vector<576x128xf32>
    %add3A_270 = arith.addf %add3A_269, %slice3A_268 : vector<576x128xf32>
    %slice3A_271 = vector.extract_strided_slice %broadcast_in_dim3A_229 {offsets = [0, 384], sizes = [1, 128], strides = [1, 1]} : vector<1x2048xf32> to vector<1x128xf32>
    %add3A_272 = vector.broadcast %slice3A_271 : vector<1x128xf32> to vector<576x128xf32>
    %add3A_273 = arith.addf %add3A_270, %add3A_272 : vector<576x128xf32>
    %add3A_274 = arith.constant 2432 : i32
    %add3A_275 = vector.broadcast %add3A_274 : i32 to vector<576x128xi32>
    %add3A_276 = arith.addi %iota3A, %add3A_275 : vector<576x128xi32>
    %lt3A_277 = arith.cmpf olt, %add3A_273, %min3A_266 : vector<576x128xf32>
    %min3A_278 = arith.minimumf %min3A_266, %add3A_273 : vector<576x128xf32>
    %select_n3A_279 = arith.select %lt3A_277, %add3A_276, %select_n3A_267 : vector<576x128xi1>, vector<576x128xi32>
    %slice3A_280 = vector.extract_strided_slice %dot_general3A_234 {offsets = [0, 512], sizes = [576, 128], strides = [1, 1]} : vector<576x2048xf32> to vector<576x128xf32>
    %add3A_281 = vector.broadcast %broadcast_in_dim3A : vector<576x1xf32> to vector<576x128xf32>
    %add3A_282 = arith.addf %add3A_281, %slice3A_280 : vector<576x128xf32>
    %slice3A_283 = vector.extract_strided_slice %broadcast_in_dim3A_229 {offsets = [0, 512], sizes = [1, 128], strides = [1, 1]} : vector<1x2048xf32> to vector<1x128xf32>
    %add3A_284 = vector.broadcast %slice3A_283 : vector<1x128xf32> to vector<576x128xf32>
    %add3A_285 = arith.addf %add3A_282, %add3A_284 : vector<576x128xf32>
    %add3A_286 = arith.constant 2560 : i32
    %add3A_287 = vector.broadcast %add3A_286 : i32 to vector<576x128xi32>
    %add3A_288 = arith.addi %iota3A, %add3A_287 : vector<576x128xi32>
    %lt3A_289 = arith.cmpf olt, %add3A_285, %min3A_278 : vector<576x128xf32>
    %min3A_290 = arith.minimumf %min3A_278, %add3A_285 : vector<576x128xf32>
    %select_n3A_291 = arith.select %lt3A_289, %add3A_288, %select_n3A_279 : vector<576x128xi1>, vector<576x128xi32>
    %slice3A_292 = vector.extract_strided_slice %dot_general3A_234 {offsets = [0, 640], sizes = [576, 128], strides = [1, 1]} : vector<576x2048xf32> to vector<576x128xf32>
    %add3A_293 = vector.broadcast %broadcast_in_dim3A : vector<576x1xf32> to vector<576x128xf32>
    %add3A_294 = arith.addf %add3A_293, %slice3A_292 : vector<576x128xf32>
    %slice3A_295 = vector.extract_strided_slice %broadcast_in_dim3A_229 {offsets = [0, 640], sizes = [1, 128], strides = [1, 1]} : vector<1x2048xf32> to vector<1x128xf32>
    %add3A_296 = vector.broadcast %slice3A_295 : vector<1x128xf32> to vector<576x128xf32>
    %add3A_297 = arith.addf %add3A_294, %add3A_296 : vector<576x128xf32>
    %add3A_298 = arith.constant 2688 : i32
    %add3A_299 = vector.broadcast %add3A_298 : i32 to vector<576x128xi32>
    %add3A_300 = arith.addi %iota3A, %add3A_299 : vector<576x128xi32>
    %lt3A_301 = arith.cmpf olt, %add3A_297, %min3A_290 : vector<576x128xf32>
    %min3A_302 = arith.minimumf %min3A_290, %add3A_297 : vector<576x128xf32>
    %select_n3A_303 = arith.select %lt3A_301, %add3A_300, %select_n3A_291 : vector<576x128xi1>, vector<576x128xi32>
    %slice3A_304 = vector.extract_strided_slice %dot_general3A_234 {offsets = [0, 768], sizes = [576, 128], strides = [1, 1]} : vector<576x2048xf32> to vector<576x128xf32>
    %add3A_305 = vector.broadcast %broadcast_in_dim3A : vector<576x1xf32> to vector<576x128xf32>
    %add3A_306 = arith.addf %add3A_305, %slice3A_304 : vector<576x128xf32>
    %slice3A_307 = vector.extract_strided_slice %broadcast_in_dim3A_229 {offsets = [0, 768], sizes = [1, 128], strides = [1, 1]} : vector<1x2048xf32> to vector<1x128xf32>
    %add3A_308 = vector.broadcast %slice3A_307 : vector<1x128xf32> to vector<576x128xf32>
    %add3A_309 = arith.addf %add3A_306, %add3A_308 : vector<576x128xf32>
    %add3A_310 = arith.constant 2816 : i32
    %add3A_311 = vector.broadcast %add3A_310 : i32 to vector<576x128xi32>
    %add3A_312 = arith.addi %iota3A, %add3A_311 : vector<576x128xi32>
    %lt3A_313 = arith.cmpf olt, %add3A_309, %min3A_302 : vector<576x128xf32>
    %min3A_314 = arith.minimumf %min3A_302, %add3A_309 : vector<576x128xf32>
    %select_n3A_315 = arith.select %lt3A_313, %add3A_312, %select_n3A_303 : vector<576x128xi1>, vector<576x128xi32>
    %slice3A_316 = vector.extract_strided_slice %dot_general3A_234 {offsets = [0, 896], sizes = [576, 128], strides = [1, 1]} : vector<576x2048xf32> to vector<576x128xf32>
    %add3A_317 = vector.broadcast %broadcast_in_dim3A : vector<576x1xf32> to vector<576x128xf32>
    %add3A_318 = arith.addf %add3A_317, %slice3A_316 : vector<576x128xf32>
    %slice3A_319 = vector.extract_strided_slice %broadcast_in_dim3A_229 {offsets = [0, 896], sizes = [1, 128], strides = [1, 1]} : vector<1x2048xf32> to vector<1x128xf32>
    %add3A_320 = vector.broadcast %slice3A_319 : vector<1x128xf32> to vector<576x128xf32>
    %add3A_321 = arith.addf %add3A_318, %add3A_320 : vector<576x128xf32>
    %add3A_322 = arith.constant 2944 : i32
    %add3A_323 = vector.broadcast %add3A_322 : i32 to vector<576x128xi32>
    %add3A_324 = arith.addi %iota3A, %add3A_323 : vector<576x128xi32>
    %lt3A_325 = arith.cmpf olt, %add3A_321, %min3A_314 : vector<576x128xf32>
    %min3A_326 = arith.minimumf %min3A_314, %add3A_321 : vector<576x128xf32>
    %select_n3A_327 = arith.select %lt3A_325, %add3A_324, %select_n3A_315 : vector<576x128xi1>, vector<576x128xi32>
    %slice3A_328 = vector.extract_strided_slice %dot_general3A_234 {offsets = [0, 1024], sizes = [576, 128], strides = [1, 1]} : vector<576x2048xf32> to vector<576x128xf32>
    %add3A_329 = vector.broadcast %broadcast_in_dim3A : vector<576x1xf32> to vector<576x128xf32>
    %add3A_330 = arith.addf %add3A_329, %slice3A_328 : vector<576x128xf32>
    %slice3A_331 = vector.extract_strided_slice %broadcast_in_dim3A_229 {offsets = [0, 1024], sizes = [1, 128], strides = [1, 1]} : vector<1x2048xf32> to vector<1x128xf32>
    %add3A_332 = vector.broadcast %slice3A_331 : vector<1x128xf32> to vector<576x128xf32>
    %add3A_333 = arith.addf %add3A_330, %add3A_332 : vector<576x128xf32>
    %add3A_334 = arith.constant 3072 : i32
    %add3A_335 = vector.broadcast %add3A_334 : i32 to vector<576x128xi32>
    %add3A_336 = arith.addi %iota3A, %add3A_335 : vector<576x128xi32>
    %lt3A_337 = arith.cmpf olt, %add3A_333, %min3A_326 : vector<576x128xf32>
    %min3A_338 = arith.minimumf %min3A_326, %add3A_333 : vector<576x128xf32>
    %select_n3A_339 = arith.select %lt3A_337, %add3A_336, %select_n3A_327 : vector<576x128xi1>, vector<576x128xi32>
    %slice3A_340 = vector.extract_strided_slice %dot_general3A_234 {offsets = [0, 1152], sizes = [576, 128], strides = [1, 1]} : vector<576x2048xf32> to vector<576x128xf32>
    %add3A_341 = vector.broadcast %broadcast_in_dim3A : vector<576x1xf32> to vector<576x128xf32>
    %add3A_342 = arith.addf %add3A_341, %slice3A_340 : vector<576x128xf32>
    %slice3A_343 = vector.extract_strided_slice %broadcast_in_dim3A_229 {offsets = [0, 1152], sizes = [1, 128], strides = [1, 1]} : vector<1x2048xf32> to vector<1x128xf32>
    %add3A_344 = vector.broadcast %slice3A_343 : vector<1x128xf32> to vector<576x128xf32>
    %add3A_345 = arith.addf %add3A_342, %add3A_344 : vector<576x128xf32>
    %add3A_346 = arith.constant 3200 : i32
    %add3A_347 = vector.broadcast %add3A_346 : i32 to vector<576x128xi32>
    %add3A_348 = arith.addi %iota3A, %add3A_347 : vector<576x128xi32>
    %lt3A_349 = arith.cmpf olt, %add3A_345, %min3A_338 : vector<576x128xf32>
    %min3A_350 = arith.minimumf %min3A_338, %add3A_345 : vector<576x128xf32>
    %select_n3A_351 = arith.select %lt3A_349, %add3A_348, %select_n3A_339 : vector<576x128xi1>, vector<576x128xi32>
    %slice3A_352 = vector.extract_strided_slice %dot_general3A_234 {offsets = [0, 1280], sizes = [576, 128], strides = [1, 1]} : vector<576x2048xf32> to vector<576x128xf32>
    %add3A_353 = vector.broadcast %broadcast_in_dim3A : vector<576x1xf32> to vector<576x128xf32>
    %add3A_354 = arith.addf %add3A_353, %slice3A_352 : vector<576x128xf32>
    %slice3A_355 = vector.extract_strided_slice %broadcast_in_dim3A_229 {offsets = [0, 1280], sizes = [1, 128], strides = [1, 1]} : vector<1x2048xf32> to vector<1x128xf32>
    %add3A_356 = vector.broadcast %slice3A_355 : vector<1x128xf32> to vector<576x128xf32>
    %add3A_357 = arith.addf %add3A_354, %add3A_356 : vector<576x128xf32>
    %add3A_358 = arith.constant 3328 : i32
    %add3A_359 = vector.broadcast %add3A_358 : i32 to vector<576x128xi32>
    %add3A_360 = arith.addi %iota3A, %add3A_359 : vector<576x128xi32>
    %lt3A_361 = arith.cmpf olt, %add3A_357, %min3A_350 : vector<576x128xf32>
    %min3A_362 = arith.minimumf %min3A_350, %add3A_357 : vector<576x128xf32>
    %select_n3A_363 = arith.select %lt3A_361, %add3A_360, %select_n3A_351 : vector<576x128xi1>, vector<576x128xi32>
    %slice3A_364 = vector.extract_strided_slice %dot_general3A_234 {offsets = [0, 1408], sizes = [576, 128], strides = [1, 1]} : vector<576x2048xf32> to vector<576x128xf32>
    %add3A_365 = vector.broadcast %broadcast_in_dim3A : vector<576x1xf32> to vector<576x128xf32>
    %add3A_366 = arith.addf %add3A_365, %slice3A_364 : vector<576x128xf32>
    %slice3A_367 = vector.extract_strided_slice %broadcast_in_dim3A_229 {offsets = [0, 1408], sizes = [1, 128], strides = [1, 1]} : vector<1x2048xf32> to vector<1x128xf32>
    %add3A_368 = vector.broadcast %slice3A_367 : vector<1x128xf32> to vector<576x128xf32>
    %add3A_369 = arith.addf %add3A_366, %add3A_368 : vector<576x128xf32>
    %add3A_370 = arith.constant 3456 : i32
    %add3A_371 = vector.broadcast %add3A_370 : i32 to vector<576x128xi32>
    %add3A_372 = arith.addi %iota3A, %add3A_371 : vector<576x128xi32>
    %lt3A_373 = arith.cmpf olt, %add3A_369, %min3A_362 : vector<576x128xf32>
    %min3A_374 = arith.minimumf %min3A_362, %add3A_369 : vector<576x128xf32>
    %select_n3A_375 = arith.select %lt3A_373, %add3A_372, %select_n3A_363 : vector<576x128xi1>, vector<576x128xi32>
    %slice3A_376 = vector.extract_strided_slice %dot_general3A_234 {offsets = [0, 1536], sizes = [576, 128], strides = [1, 1]} : vector<576x2048xf32> to vector<576x128xf32>
    %add3A_377 = vector.broadcast %broadcast_in_dim3A : vector<576x1xf32> to vector<576x128xf32>
    %add3A_378 = arith.addf %add3A_377, %slice3A_376 : vector<576x128xf32>
    %slice3A_379 = vector.extract_strided_slice %broadcast_in_dim3A_229 {offsets = [0, 1536], sizes = [1, 128], strides = [1, 1]} : vector<1x2048xf32> to vector<1x128xf32>
    %add3A_380 = vector.broadcast %slice3A_379 : vector<1x128xf32> to vector<576x128xf32>
    %add3A_381 = arith.addf %add3A_378, %add3A_380 : vector<576x128xf32>
    %add3A_382 = arith.constant 3584 : i32
    %add3A_383 = vector.broadcast %add3A_382 : i32 to vector<576x128xi32>
    %add3A_384 = arith.addi %iota3A, %add3A_383 : vector<576x128xi32>
    %lt3A_385 = arith.cmpf olt, %add3A_381, %min3A_374 : vector<576x128xf32>
    %min3A_386 = arith.minimumf %min3A_374, %add3A_381 : vector<576x128xf32>
    %select_n3A_387 = arith.select %lt3A_385, %add3A_384, %select_n3A_375 : vector<576x128xi1>, vector<576x128xi32>
    %slice3A_388 = vector.extract_strided_slice %dot_general3A_234 {offsets = [0, 1664], sizes = [576, 128], strides = [1, 1]} : vector<576x2048xf32> to vector<576x128xf32>
    %add3A_389 = vector.broadcast %broadcast_in_dim3A : vector<576x1xf32> to vector<576x128xf32>
    %add3A_390 = arith.addf %add3A_389, %slice3A_388 : vector<576x128xf32>
    %slice3A_391 = vector.extract_strided_slice %broadcast_in_dim3A_229 {offsets = [0, 1664], sizes = [1, 128], strides = [1, 1]} : vector<1x2048xf32> to vector<1x128xf32>
    %add3A_392 = vector.broadcast %slice3A_391 : vector<1x128xf32> to vector<576x128xf32>
    %add3A_393 = arith.addf %add3A_390, %add3A_392 : vector<576x128xf32>
    %add3A_394 = arith.constant 3712 : i32
    %add3A_395 = vector.broadcast %add3A_394 : i32 to vector<576x128xi32>
    %add3A_396 = arith.addi %iota3A, %add3A_395 : vector<576x128xi32>
    %lt3A_397 = arith.cmpf olt, %add3A_393, %min3A_386 : vector<576x128xf32>
    %min3A_398 = arith.minimumf %min3A_386, %add3A_393 : vector<576x128xf32>
    %select_n3A_399 = arith.select %lt3A_397, %add3A_396, %select_n3A_387 : vector<576x128xi1>, vector<576x128xi32>
    %slice3A_400 = vector.extract_strided_slice %dot_general3A_234 {offsets = [0, 1792], sizes = [576, 128], strides = [1, 1]} : vector<576x2048xf32> to vector<576x128xf32>
    %add3A_401 = vector.broadcast %broadcast_in_dim3A : vector<576x1xf32> to vector<576x128xf32>
    %add3A_402 = arith.addf %add3A_401, %slice3A_400 : vector<576x128xf32>
    %slice3A_403 = vector.extract_strided_slice %broadcast_in_dim3A_229 {offsets = [0, 1792], sizes = [1, 128], strides = [1, 1]} : vector<1x2048xf32> to vector<1x128xf32>
    %add3A_404 = vector.broadcast %slice3A_403 : vector<1x128xf32> to vector<576x128xf32>
    %add3A_405 = arith.addf %add3A_402, %add3A_404 : vector<576x128xf32>
    %add3A_406 = arith.constant 3840 : i32
    %add3A_407 = vector.broadcast %add3A_406 : i32 to vector<576x128xi32>
    %add3A_408 = arith.addi %iota3A, %add3A_407 : vector<576x128xi32>
    %lt3A_409 = arith.cmpf olt, %add3A_405, %min3A_398 : vector<576x128xf32>
    %min3A_410 = arith.minimumf %min3A_398, %add3A_405 : vector<576x128xf32>
    %select_n3A_411 = arith.select %lt3A_409, %add3A_408, %select_n3A_399 : vector<576x128xi1>, vector<576x128xi32>
    %slice3A_412 = vector.extract_strided_slice %dot_general3A_234 {offsets = [0, 1920], sizes = [576, 128], strides = [1, 1]} : vector<576x2048xf32> to vector<576x128xf32>
    %add3A_413 = vector.broadcast %broadcast_in_dim3A : vector<576x1xf32> to vector<576x128xf32>
    %add3A_414 = arith.addf %add3A_413, %slice3A_412 : vector<576x128xf32>
    %slice3A_415 = vector.extract_strided_slice %broadcast_in_dim3A_229 {offsets = [0, 1920], sizes = [1, 128], strides = [1, 1]} : vector<1x2048xf32> to vector<1x128xf32>
    %add3A_416 = vector.broadcast %slice3A_415 : vector<1x128xf32> to vector<576x128xf32>
    %add3A_417 = arith.addf %add3A_414, %add3A_416 : vector<576x128xf32>
    %add3A_418 = arith.constant 3968 : i32
    %add3A_419 = vector.broadcast %add3A_418 : i32 to vector<576x128xi32>
    %add3A_420 = arith.addi %iota3A, %add3A_419 : vector<576x128xi32>
    %lt3A_421 = arith.cmpf olt, %add3A_417, %min3A_410 : vector<576x128xf32>
    %min3A_422 = arith.minimumf %min3A_410, %add3A_417 : vector<576x128xf32>
    %select_n3A_423 = arith.select %lt3A_421, %add3A_420, %select_n3A_411 : vector<576x128xi1>, vector<576x128xi32>
    %reduce_min3A_424 = arith.constant dense<0x7F800000> : vector<576xf32>
    %reduce_min3A_425 = vector.multi_reduction <minimumf>, %min3A_422, %reduce_min3A_424 [1] : vector<576x128xf32> to vector<576xf32>
    %broadcast_in_dim3A_426 = vector.shape_cast %reduce_min3A_425 : vector<576xf32> to vector<576x1xf32>
    %eq3A_427 = vector.broadcast %broadcast_in_dim3A_426 : vector<576x1xf32> to vector<576x128xf32>
    %eq3A_428 = arith.cmpf oeq, %min3A_422, %eq3A_427 : vector<576x128xf32>
    %jit3A_429 = arith.constant 8192 : i32
    %broadcast_in_dim3A_430 = vector.broadcast %jit3A_429 : i32 to vector<576x128xi32>
    %select_n3A_431 = arith.select %eq3A_428, %select_n3A_423, %broadcast_in_dim3A_430 : vector<576x128xi1>, vector<576x128xi32>
    %reduce_min3A_432 = arith.constant dense<2147483647> : vector<576xi32>
    %reduce_min3A_433 = vector.multi_reduction <minsi>, %select_n3A_431, %reduce_min3A_432 [1] : vector<576x128xi32> to vector<576xi32>
    %broadcast_in_dim3A_434 = vector.shape_cast %reduce_min3A_433 : vector<576xi32> to vector<576x1xi32>
    %convert_element_type3A_435 = arith.truncf %broadcast_in_dim3A_426 : vector<576x1xf32> to vector<576x1xbf16>
    %convert_element_type3A_436 = arith.extf %convert_element_type3A_435 : vector<576x1xbf16> to vector<576x1xf32>
    %lt3A_437 = arith.cmpf olt, %broadcast_in_dim3A_426, %convert_element_type3A_222 : vector<576x1xf32>
    %select_n3A_438 = arith.select %lt3A_437, %broadcast_in_dim3A_434, %broadcast_in_dim3A_220 : vector<576x1xi1>, vector<576x1xi32>
    %select_n3A_439 = arith.select %lt3A_437, %broadcast_in_dim3A_426, %broadcast_in_dim3A_213 : vector<576x1xi1>, vector<576x1xf32>
    %select_n3A_440 = arith.select %lt3A_437, %convert_element_type3A_436, %convert_element_type3A_222 : vector<576x1xi1>, vector<576x1xf32>
    %get3A_441 = arith.constant 4096 : index
    %get3A_442 = arith.constant 0 : index
    %get3A_443 = vector.load %arg4[%get3A_441, %get3A_442] : memref<8192x64xf32, #tpu.memory_space<vmem>>, vector<2048x64xf32>
    %mul3A_444 = arith.mulf %get3A_443, %get3A_443 : vector<2048x64xf32>
    %reduce_sum3A_445 = arith.constant dense<0.000000e+00> : vector<2048xf32>
    %reduce_sum3A_446 = vector.multi_reduction <add>, %mul3A_444, %reduce_sum3A_445 [1] : vector<2048x64xf32> to vector<2048xf32>
    %broadcast_in_dim3A_447 = vector.shape_cast %reduce_sum3A_446 : vector<2048xf32> to vector<1x2048xf32>
    %mul3A_448 = arith.constant -2.000000e+00 : f32
    %mul3A_449 = vector.broadcast %mul3A_448 : f32 to vector<2048x64xf32>
    %mul3A_450 = arith.mulf %mul3A_449, %get3A_443 : vector<2048x64xf32>
    %dot_general3A_451 = arith.constant dense<0.000000e+00> : vector<576x2048xf32>
    %dot_general3A_452 = tpu.matmul %add3A_13, %mul3A_450, %dot_general3A_451 {dimension_numbers = #tpu.dot_dimension_numbers<[1], [1], [0], [0], [0, 0, 1, 0], [], []>, transpose_lhs_hint = false} : vector<576x64xf32>, vector<2048x64xf32>, vector<576x2048xf32> -> vector<576x2048xf32>
    %slice3A_453 = vector.extract_strided_slice %dot_general3A_452 {offsets = [0, 0], sizes = [576, 128], strides = [1, 1]} : vector<576x2048xf32> to vector<576x128xf32>
    %add3A_454 = vector.broadcast %broadcast_in_dim3A : vector<576x1xf32> to vector<576x128xf32>
    %add3A_455 = arith.addf %add3A_454, %slice3A_453 : vector<576x128xf32>
    %slice3A_456 = vector.extract_strided_slice %broadcast_in_dim3A_447 {offsets = [0, 0], sizes = [1, 128], strides = [1, 1]} : vector<1x2048xf32> to vector<1x128xf32>
    %add3A_457 = vector.broadcast %slice3A_456 : vector<1x128xf32> to vector<576x128xf32>
    %add3A_458 = arith.addf %add3A_455, %add3A_457 : vector<576x128xf32>
    %add3A_459 = arith.constant 4096 : i32
    %add3A_460 = vector.broadcast %add3A_459 : i32 to vector<576x128xi32>
    %add3A_461 = arith.addi %iota3A, %add3A_460 : vector<576x128xi32>
    %slice3A_462 = vector.extract_strided_slice %dot_general3A_452 {offsets = [0, 128], sizes = [576, 128], strides = [1, 1]} : vector<576x2048xf32> to vector<576x128xf32>
    %add3A_463 = vector.broadcast %broadcast_in_dim3A : vector<576x1xf32> to vector<576x128xf32>
    %add3A_464 = arith.addf %add3A_463, %slice3A_462 : vector<576x128xf32>
    %slice3A_465 = vector.extract_strided_slice %broadcast_in_dim3A_447 {offsets = [0, 128], sizes = [1, 128], strides = [1, 1]} : vector<1x2048xf32> to vector<1x128xf32>
    %add3A_466 = vector.broadcast %slice3A_465 : vector<1x128xf32> to vector<576x128xf32>
    %add3A_467 = arith.addf %add3A_464, %add3A_466 : vector<576x128xf32>
    %add3A_468 = arith.constant 4224 : i32
    %add3A_469 = vector.broadcast %add3A_468 : i32 to vector<576x128xi32>
    %add3A_470 = arith.addi %iota3A, %add3A_469 : vector<576x128xi32>
    %lt3A_471 = arith.cmpf olt, %add3A_467, %add3A_458 : vector<576x128xf32>
    %min3A_472 = arith.minimumf %add3A_458, %add3A_467 : vector<576x128xf32>
    %select_n3A_473 = arith.select %lt3A_471, %add3A_470, %add3A_461 : vector<576x128xi1>, vector<576x128xi32>
    %slice3A_474 = vector.extract_strided_slice %dot_general3A_452 {offsets = [0, 256], sizes = [576, 128], strides = [1, 1]} : vector<576x2048xf32> to vector<576x128xf32>
    %add3A_475 = vector.broadcast %broadcast_in_dim3A : vector<576x1xf32> to vector<576x128xf32>
    %add3A_476 = arith.addf %add3A_475, %slice3A_474 : vector<576x128xf32>
    %slice3A_477 = vector.extract_strided_slice %broadcast_in_dim3A_447 {offsets = [0, 256], sizes = [1, 128], strides = [1, 1]} : vector<1x2048xf32> to vector<1x128xf32>
    %add3A_478 = vector.broadcast %slice3A_477 : vector<1x128xf32> to vector<576x128xf32>
    %add3A_479 = arith.addf %add3A_476, %add3A_478 : vector<576x128xf32>
    %add3A_480 = arith.constant 4352 : i32
    %add3A_481 = vector.broadcast %add3A_480 : i32 to vector<576x128xi32>
    %add3A_482 = arith.addi %iota3A, %add3A_481 : vector<576x128xi32>
    %lt3A_483 = arith.cmpf olt, %add3A_479, %min3A_472 : vector<576x128xf32>
    %min3A_484 = arith.minimumf %min3A_472, %add3A_479 : vector<576x128xf32>
    %select_n3A_485 = arith.select %lt3A_483, %add3A_482, %select_n3A_473 : vector<576x128xi1>, vector<576x128xi32>
    %slice3A_486 = vector.extract_strided_slice %dot_general3A_452 {offsets = [0, 384], sizes = [576, 128], strides = [1, 1]} : vector<576x2048xf32> to vector<576x128xf32>
    %add3A_487 = vector.broadcast %broadcast_in_dim3A : vector<576x1xf32> to vector<576x128xf32>
    %add3A_488 = arith.addf %add3A_487, %slice3A_486 : vector<576x128xf32>
    %slice3A_489 = vector.extract_strided_slice %broadcast_in_dim3A_447 {offsets = [0, 384], sizes = [1, 128], strides = [1, 1]} : vector<1x2048xf32> to vector<1x128xf32>
    %add3A_490 = vector.broadcast %slice3A_489 : vector<1x128xf32> to vector<576x128xf32>
    %add3A_491 = arith.addf %add3A_488, %add3A_490 : vector<576x128xf32>
    %add3A_492 = arith.constant 4480 : i32
    %add3A_493 = vector.broadcast %add3A_492 : i32 to vector<576x128xi32>
    %add3A_494 = arith.addi %iota3A, %add3A_493 : vector<576x128xi32>
    %lt3A_495 = arith.cmpf olt, %add3A_491, %min3A_484 : vector<576x128xf32>
    %min3A_496 = arith.minimumf %min3A_484, %add3A_491 : vector<576x128xf32>
    %select_n3A_497 = arith.select %lt3A_495, %add3A_494, %select_n3A_485 : vector<576x128xi1>, vector<576x128xi32>
    %slice3A_498 = vector.extract_strided_slice %dot_general3A_452 {offsets = [0, 512], sizes = [576, 128], strides = [1, 1]} : vector<576x2048xf32> to vector<576x128xf32>
    %add3A_499 = vector.broadcast %broadcast_in_dim3A : vector<576x1xf32> to vector<576x128xf32>
    %add3A_500 = arith.addf %add3A_499, %slice3A_498 : vector<576x128xf32>
    %slice3A_501 = vector.extract_strided_slice %broadcast_in_dim3A_447 {offsets = [0, 512], sizes = [1, 128], strides = [1, 1]} : vector<1x2048xf32> to vector<1x128xf32>
    %add3A_502 = vector.broadcast %slice3A_501 : vector<1x128xf32> to vector<576x128xf32>
    %add3A_503 = arith.addf %add3A_500, %add3A_502 : vector<576x128xf32>
    %add3A_504 = arith.constant 4608 : i32
    %add3A_505 = vector.broadcast %add3A_504 : i32 to vector<576x128xi32>
    %add3A_506 = arith.addi %iota3A, %add3A_505 : vector<576x128xi32>
    %lt3A_507 = arith.cmpf olt, %add3A_503, %min3A_496 : vector<576x128xf32>
    %min3A_508 = arith.minimumf %min3A_496, %add3A_503 : vector<576x128xf32>
    %select_n3A_509 = arith.select %lt3A_507, %add3A_506, %select_n3A_497 : vector<576x128xi1>, vector<576x128xi32>
    %slice3A_510 = vector.extract_strided_slice %dot_general3A_452 {offsets = [0, 640], sizes = [576, 128], strides = [1, 1]} : vector<576x2048xf32> to vector<576x128xf32>
    %add3A_511 = vector.broadcast %broadcast_in_dim3A : vector<576x1xf32> to vector<576x128xf32>
    %add3A_512 = arith.addf %add3A_511, %slice3A_510 : vector<576x128xf32>
    %slice3A_513 = vector.extract_strided_slice %broadcast_in_dim3A_447 {offsets = [0, 640], sizes = [1, 128], strides = [1, 1]} : vector<1x2048xf32> to vector<1x128xf32>
    %add3A_514 = vector.broadcast %slice3A_513 : vector<1x128xf32> to vector<576x128xf32>
    %add3A_515 = arith.addf %add3A_512, %add3A_514 : vector<576x128xf32>
    %add3A_516 = arith.constant 4736 : i32
    %add3A_517 = vector.broadcast %add3A_516 : i32 to vector<576x128xi32>
    %add3A_518 = arith.addi %iota3A, %add3A_517 : vector<576x128xi32>
    %lt3A_519 = arith.cmpf olt, %add3A_515, %min3A_508 : vector<576x128xf32>
    %min3A_520 = arith.minimumf %min3A_508, %add3A_515 : vector<576x128xf32>
    %select_n3A_521 = arith.select %lt3A_519, %add3A_518, %select_n3A_509 : vector<576x128xi1>, vector<576x128xi32>
    %slice3A_522 = vector.extract_strided_slice %dot_general3A_452 {offsets = [0, 768], sizes = [576, 128], strides = [1, 1]} : vector<576x2048xf32> to vector<576x128xf32>
    %add3A_523 = vector.broadcast %broadcast_in_dim3A : vector<576x1xf32> to vector<576x128xf32>
    %add3A_524 = arith.addf %add3A_523, %slice3A_522 : vector<576x128xf32>
    %slice3A_525 = vector.extract_strided_slice %broadcast_in_dim3A_447 {offsets = [0, 768], sizes = [1, 128], strides = [1, 1]} : vector<1x2048xf32> to vector<1x128xf32>
    %add3A_526 = vector.broadcast %slice3A_525 : vector<1x128xf32> to vector<576x128xf32>
    %add3A_527 = arith.addf %add3A_524, %add3A_526 : vector<576x128xf32>
    %add3A_528 = arith.constant 4864 : i32
    %add3A_529 = vector.broadcast %add3A_528 : i32 to vector<576x128xi32>
    %add3A_530 = arith.addi %iota3A, %add3A_529 : vector<576x128xi32>
    %lt3A_531 = arith.cmpf olt, %add3A_527, %min3A_520 : vector<576x128xf32>
    %min3A_532 = arith.minimumf %min3A_520, %add3A_527 : vector<576x128xf32>
    %select_n3A_533 = arith.select %lt3A_531, %add3A_530, %select_n3A_521 : vector<576x128xi1>, vector<576x128xi32>
    %slice3A_534 = vector.extract_strided_slice %dot_general3A_452 {offsets = [0, 896], sizes = [576, 128], strides = [1, 1]} : vector<576x2048xf32> to vector<576x128xf32>
    %add3A_535 = vector.broadcast %broadcast_in_dim3A : vector<576x1xf32> to vector<576x128xf32>
    %add3A_536 = arith.addf %add3A_535, %slice3A_534 : vector<576x128xf32>
    %slice3A_537 = vector.extract_strided_slice %broadcast_in_dim3A_447 {offsets = [0, 896], sizes = [1, 128], strides = [1, 1]} : vector<1x2048xf32> to vector<1x128xf32>
    %add3A_538 = vector.broadcast %slice3A_537 : vector<1x128xf32> to vector<576x128xf32>
    %add3A_539 = arith.addf %add3A_536, %add3A_538 : vector<576x128xf32>
    %add3A_540 = arith.constant 4992 : i32
    %add3A_541 = vector.broadcast %add3A_540 : i32 to vector<576x128xi32>
    %add3A_542 = arith.addi %iota3A, %add3A_541 : vector<576x128xi32>
    %lt3A_543 = arith.cmpf olt, %add3A_539, %min3A_532 : vector<576x128xf32>
    %min3A_544 = arith.minimumf %min3A_532, %add3A_539 : vector<576x128xf32>
    %select_n3A_545 = arith.select %lt3A_543, %add3A_542, %select_n3A_533 : vector<576x128xi1>, vector<576x128xi32>
    %slice3A_546 = vector.extract_strided_slice %dot_general3A_452 {offsets = [0, 1024], sizes = [576, 128], strides = [1, 1]} : vector<576x2048xf32> to vector<576x128xf32>
    %add3A_547 = vector.broadcast %broadcast_in_dim3A : vector<576x1xf32> to vector<576x128xf32>
    %add3A_548 = arith.addf %add3A_547, %slice3A_546 : vector<576x128xf32>
    %slice3A_549 = vector.extract_strided_slice %broadcast_in_dim3A_447 {offsets = [0, 1024], sizes = [1, 128], strides = [1, 1]} : vector<1x2048xf32> to vector<1x128xf32>
    %add3A_550 = vector.broadcast %slice3A_549 : vector<1x128xf32> to vector<576x128xf32>
    %add3A_551 = arith.addf %add3A_548, %add3A_550 : vector<576x128xf32>
    %add3A_552 = arith.constant 5120 : i32
    %add3A_553 = vector.broadcast %add3A_552 : i32 to vector<576x128xi32>
    %add3A_554 = arith.addi %iota3A, %add3A_553 : vector<576x128xi32>
    %lt3A_555 = arith.cmpf olt, %add3A_551, %min3A_544 : vector<576x128xf32>
    %min3A_556 = arith.minimumf %min3A_544, %add3A_551 : vector<576x128xf32>
    %select_n3A_557 = arith.select %lt3A_555, %add3A_554, %select_n3A_545 : vector<576x128xi1>, vector<576x128xi32>
    %slice3A_558 = vector.extract_strided_slice %dot_general3A_452 {offsets = [0, 1152], sizes = [576, 128], strides = [1, 1]} : vector<576x2048xf32> to vector<576x128xf32>
    %add3A_559 = vector.broadcast %broadcast_in_dim3A : vector<576x1xf32> to vector<576x128xf32>
    %add3A_560 = arith.addf %add3A_559, %slice3A_558 : vector<576x128xf32>
    %slice3A_561 = vector.extract_strided_slice %broadcast_in_dim3A_447 {offsets = [0, 1152], sizes = [1, 128], strides = [1, 1]} : vector<1x2048xf32> to vector<1x128xf32>
    %add3A_562 = vector.broadcast %slice3A_561 : vector<1x128xf32> to vector<576x128xf32>
    %add3A_563 = arith.addf %add3A_560, %add3A_562 : vector<576x128xf32>
    %add3A_564 = arith.constant 5248 : i32
    %add3A_565 = vector.broadcast %add3A_564 : i32 to vector<576x128xi32>
    %add3A_566 = arith.addi %iota3A, %add3A_565 : vector<576x128xi32>
    %lt3A_567 = arith.cmpf olt, %add3A_563, %min3A_556 : vector<576x128xf32>
    %min3A_568 = arith.minimumf %min3A_556, %add3A_563 : vector<576x128xf32>
    %select_n3A_569 = arith.select %lt3A_567, %add3A_566, %select_n3A_557 : vector<576x128xi1>, vector<576x128xi32>
    %slice3A_570 = vector.extract_strided_slice %dot_general3A_452 {offsets = [0, 1280], sizes = [576, 128], strides = [1, 1]} : vector<576x2048xf32> to vector<576x128xf32>
    %add3A_571 = vector.broadcast %broadcast_in_dim3A : vector<576x1xf32> to vector<576x128xf32>
    %add3A_572 = arith.addf %add3A_571, %slice3A_570 : vector<576x128xf32>
    %slice3A_573 = vector.extract_strided_slice %broadcast_in_dim3A_447 {offsets = [0, 1280], sizes = [1, 128], strides = [1, 1]} : vector<1x2048xf32> to vector<1x128xf32>
    %add3A_574 = vector.broadcast %slice3A_573 : vector<1x128xf32> to vector<576x128xf32>
    %add3A_575 = arith.addf %add3A_572, %add3A_574 : vector<576x128xf32>
    %add3A_576 = arith.constant 5376 : i32
    %add3A_577 = vector.broadcast %add3A_576 : i32 to vector<576x128xi32>
    %add3A_578 = arith.addi %iota3A, %add3A_577 : vector<576x128xi32>
    %lt3A_579 = arith.cmpf olt, %add3A_575, %min3A_568 : vector<576x128xf32>
    %min3A_580 = arith.minimumf %min3A_568, %add3A_575 : vector<576x128xf32>
    %select_n3A_581 = arith.select %lt3A_579, %add3A_578, %select_n3A_569 : vector<576x128xi1>, vector<576x128xi32>
    %slice3A_582 = vector.extract_strided_slice %dot_general3A_452 {offsets = [0, 1408], sizes = [576, 128], strides = [1, 1]} : vector<576x2048xf32> to vector<576x128xf32>
    %add3A_583 = vector.broadcast %broadcast_in_dim3A : vector<576x1xf32> to vector<576x128xf32>
    %add3A_584 = arith.addf %add3A_583, %slice3A_582 : vector<576x128xf32>
    %slice3A_585 = vector.extract_strided_slice %broadcast_in_dim3A_447 {offsets = [0, 1408], sizes = [1, 128], strides = [1, 1]} : vector<1x2048xf32> to vector<1x128xf32>
    %add3A_586 = vector.broadcast %slice3A_585 : vector<1x128xf32> to vector<576x128xf32>
    %add3A_587 = arith.addf %add3A_584, %add3A_586 : vector<576x128xf32>
    %add3A_588 = arith.constant 5504 : i32
    %add3A_589 = vector.broadcast %add3A_588 : i32 to vector<576x128xi32>
    %add3A_590 = arith.addi %iota3A, %add3A_589 : vector<576x128xi32>
    %lt3A_591 = arith.cmpf olt, %add3A_587, %min3A_580 : vector<576x128xf32>
    %min3A_592 = arith.minimumf %min3A_580, %add3A_587 : vector<576x128xf32>
    %select_n3A_593 = arith.select %lt3A_591, %add3A_590, %select_n3A_581 : vector<576x128xi1>, vector<576x128xi32>
    %slice3A_594 = vector.extract_strided_slice %dot_general3A_452 {offsets = [0, 1536], sizes = [576, 128], strides = [1, 1]} : vector<576x2048xf32> to vector<576x128xf32>
    %add3A_595 = vector.broadcast %broadcast_in_dim3A : vector<576x1xf32> to vector<576x128xf32>
    %add3A_596 = arith.addf %add3A_595, %slice3A_594 : vector<576x128xf32>
    %slice3A_597 = vector.extract_strided_slice %broadcast_in_dim3A_447 {offsets = [0, 1536], sizes = [1, 128], strides = [1, 1]} : vector<1x2048xf32> to vector<1x128xf32>
    %add3A_598 = vector.broadcast %slice3A_597 : vector<1x128xf32> to vector<576x128xf32>
    %add3A_599 = arith.addf %add3A_596, %add3A_598 : vector<576x128xf32>
    %add3A_600 = arith.constant 5632 : i32
    %add3A_601 = vector.broadcast %add3A_600 : i32 to vector<576x128xi32>
    %add3A_602 = arith.addi %iota3A, %add3A_601 : vector<576x128xi32>
    %lt3A_603 = arith.cmpf olt, %add3A_599, %min3A_592 : vector<576x128xf32>
    %min3A_604 = arith.minimumf %min3A_592, %add3A_599 : vector<576x128xf32>
    %select_n3A_605 = arith.select %lt3A_603, %add3A_602, %select_n3A_593 : vector<576x128xi1>, vector<576x128xi32>
    %slice3A_606 = vector.extract_strided_slice %dot_general3A_452 {offsets = [0, 1664], sizes = [576, 128], strides = [1, 1]} : vector<576x2048xf32> to vector<576x128xf32>
    %add3A_607 = vector.broadcast %broadcast_in_dim3A : vector<576x1xf32> to vector<576x128xf32>
    %add3A_608 = arith.addf %add3A_607, %slice3A_606 : vector<576x128xf32>
    %slice3A_609 = vector.extract_strided_slice %broadcast_in_dim3A_447 {offsets = [0, 1664], sizes = [1, 128], strides = [1, 1]} : vector<1x2048xf32> to vector<1x128xf32>
    %add3A_610 = vector.broadcast %slice3A_609 : vector<1x128xf32> to vector<576x128xf32>
    %add3A_611 = arith.addf %add3A_608, %add3A_610 : vector<576x128xf32>
    %add3A_612 = arith.constant 5760 : i32
    %add3A_613 = vector.broadcast %add3A_612 : i32 to vector<576x128xi32>
    %add3A_614 = arith.addi %iota3A, %add3A_613 : vector<576x128xi32>
    %lt3A_615 = arith.cmpf olt, %add3A_611, %min3A_604 : vector<576x128xf32>
    %min3A_616 = arith.minimumf %min3A_604, %add3A_611 : vector<576x128xf32>
    %select_n3A_617 = arith.select %lt3A_615, %add3A_614, %select_n3A_605 : vector<576x128xi1>, vector<576x128xi32>
    %slice3A_618 = vector.extract_strided_slice %dot_general3A_452 {offsets = [0, 1792], sizes = [576, 128], strides = [1, 1]} : vector<576x2048xf32> to vector<576x128xf32>
    %add3A_619 = vector.broadcast %broadcast_in_dim3A : vector<576x1xf32> to vector<576x128xf32>
    %add3A_620 = arith.addf %add3A_619, %slice3A_618 : vector<576x128xf32>
    %slice3A_621 = vector.extract_strided_slice %broadcast_in_dim3A_447 {offsets = [0, 1792], sizes = [1, 128], strides = [1, 1]} : vector<1x2048xf32> to vector<1x128xf32>
    %add3A_622 = vector.broadcast %slice3A_621 : vector<1x128xf32> to vector<576x128xf32>
    %add3A_623 = arith.addf %add3A_620, %add3A_622 : vector<576x128xf32>
    %add3A_624 = arith.constant 5888 : i32
    %add3A_625 = vector.broadcast %add3A_624 : i32 to vector<576x128xi32>
    %add3A_626 = arith.addi %iota3A, %add3A_625 : vector<576x128xi32>
    %lt3A_627 = arith.cmpf olt, %add3A_623, %min3A_616 : vector<576x128xf32>
    %min3A_628 = arith.minimumf %min3A_616, %add3A_623 : vector<576x128xf32>
    %select_n3A_629 = arith.select %lt3A_627, %add3A_626, %select_n3A_617 : vector<576x128xi1>, vector<576x128xi32>
    %slice3A_630 = vector.extract_strided_slice %dot_general3A_452 {offsets = [0, 1920], sizes = [576, 128], strides = [1, 1]} : vector<576x2048xf32> to vector<576x128xf32>
    %add3A_631 = vector.broadcast %broadcast_in_dim3A : vector<576x1xf32> to vector<576x128xf32>
    %add3A_632 = arith.addf %add3A_631, %slice3A_630 : vector<576x128xf32>
    %slice3A_633 = vector.extract_strided_slice %broadcast_in_dim3A_447 {offsets = [0, 1920], sizes = [1, 128], strides = [1, 1]} : vector<1x2048xf32> to vector<1x128xf32>
    %add3A_634 = vector.broadcast %slice3A_633 : vector<1x128xf32> to vector<576x128xf32>
    %add3A_635 = arith.addf %add3A_632, %add3A_634 : vector<576x128xf32>
    %add3A_636 = arith.constant 6016 : i32
    %add3A_637 = vector.broadcast %add3A_636 : i32 to vector<576x128xi32>
    %add3A_638 = arith.addi %iota3A, %add3A_637 : vector<576x128xi32>
    %lt3A_639 = arith.cmpf olt, %add3A_635, %min3A_628 : vector<576x128xf32>
    %min3A_640 = arith.minimumf %min3A_628, %add3A_635 : vector<576x128xf32>
    %select_n3A_641 = arith.select %lt3A_639, %add3A_638, %select_n3A_629 : vector<576x128xi1>, vector<576x128xi32>
    %reduce_min3A_642 = arith.constant dense<0x7F800000> : vector<576xf32>
    %reduce_min3A_643 = vector.multi_reduction <minimumf>, %min3A_640, %reduce_min3A_642 [1] : vector<576x128xf32> to vector<576xf32>
    %broadcast_in_dim3A_644 = vector.shape_cast %reduce_min3A_643 : vector<576xf32> to vector<576x1xf32>
    %eq3A_645 = vector.broadcast %broadcast_in_dim3A_644 : vector<576x1xf32> to vector<576x128xf32>
    %eq3A_646 = arith.cmpf oeq, %min3A_640, %eq3A_645 : vector<576x128xf32>
    %jit3A_647 = arith.constant 8192 : i32
    %broadcast_in_dim3A_648 = vector.broadcast %jit3A_647 : i32 to vector<576x128xi32>
    %select_n3A_649 = arith.select %eq3A_646, %select_n3A_641, %broadcast_in_dim3A_648 : vector<576x128xi1>, vector<576x128xi32>
    %reduce_min3A_650 = arith.constant dense<2147483647> : vector<576xi32>
    %reduce_min3A_651 = vector.multi_reduction <minsi>, %select_n3A_649, %reduce_min3A_650 [1] : vector<576x128xi32> to vector<576xi32>
    %broadcast_in_dim3A_652 = vector.shape_cast %reduce_min3A_651 : vector<576xi32> to vector<576x1xi32>
    %convert_element_type3A_653 = arith.truncf %broadcast_in_dim3A_644 : vector<576x1xf32> to vector<576x1xbf16>
    %convert_element_type3A_654 = arith.extf %convert_element_type3A_653 : vector<576x1xbf16> to vector<576x1xf32>
    %lt3A_655 = arith.cmpf olt, %broadcast_in_dim3A_644, %select_n3A_440 : vector<576x1xf32>
    %select_n3A_656 = arith.select %lt3A_655, %broadcast_in_dim3A_652, %select_n3A_438 : vector<576x1xi1>, vector<576x1xi32>
    %select_n3A_657 = arith.select %lt3A_655, %broadcast_in_dim3A_644, %select_n3A_439 : vector<576x1xi1>, vector<576x1xf32>
    %select_n3A_658 = arith.select %lt3A_655, %convert_element_type3A_654, %select_n3A_440 : vector<576x1xi1>, vector<576x1xf32>
    %get3A_659 = arith.constant 6144 : index
    %get3A_660 = arith.constant 0 : index
    %get3A_661 = vector.load %arg4[%get3A_659, %get3A_660] : memref<8192x64xf32, #tpu.memory_space<vmem>>, vector<2048x64xf32>
    %mul3A_662 = arith.mulf %get3A_661, %get3A_661 : vector<2048x64xf32>
    %reduce_sum3A_663 = arith.constant dense<0.000000e+00> : vector<2048xf32>
    %reduce_sum3A_664 = vector.multi_reduction <add>, %mul3A_662, %reduce_sum3A_663 [1] : vector<2048x64xf32> to vector<2048xf32>
    %broadcast_in_dim3A_665 = vector.shape_cast %reduce_sum3A_664 : vector<2048xf32> to vector<1x2048xf32>
    %mul3A_666 = arith.constant -2.000000e+00 : f32
    %mul3A_667 = vector.broadcast %mul3A_666 : f32 to vector<2048x64xf32>
    %mul3A_668 = arith.mulf %mul3A_667, %get3A_661 : vector<2048x64xf32>
    %dot_general3A_669 = arith.constant dense<0.000000e+00> : vector<576x2048xf32>
    %dot_general3A_670 = tpu.matmul %add3A_13, %mul3A_668, %dot_general3A_669 {dimension_numbers = #tpu.dot_dimension_numbers<[1], [1], [0], [0], [0, 0, 1, 0], [], []>, transpose_lhs_hint = false} : vector<576x64xf32>, vector<2048x64xf32>, vector<576x2048xf32> -> vector<576x2048xf32>
    %slice3A_671 = vector.extract_strided_slice %dot_general3A_670 {offsets = [0, 0], sizes = [576, 128], strides = [1, 1]} : vector<576x2048xf32> to vector<576x128xf32>
    %add3A_672 = vector.broadcast %broadcast_in_dim3A : vector<576x1xf32> to vector<576x128xf32>
    %add3A_673 = arith.addf %add3A_672, %slice3A_671 : vector<576x128xf32>
    %slice3A_674 = vector.extract_strided_slice %broadcast_in_dim3A_665 {offsets = [0, 0], sizes = [1, 128], strides = [1, 1]} : vector<1x2048xf32> to vector<1x128xf32>
    %add3A_675 = vector.broadcast %slice3A_674 : vector<1x128xf32> to vector<576x128xf32>
    %add3A_676 = arith.addf %add3A_673, %add3A_675 : vector<576x128xf32>
    %add3A_677 = arith.constant 6144 : i32
    %add3A_678 = vector.broadcast %add3A_677 : i32 to vector<576x128xi32>
    %add3A_679 = arith.addi %iota3A, %add3A_678 : vector<576x128xi32>
    %slice3A_680 = vector.extract_strided_slice %dot_general3A_670 {offsets = [0, 128], sizes = [576, 128], strides = [1, 1]} : vector<576x2048xf32> to vector<576x128xf32>
    %add3A_681 = vector.broadcast %broadcast_in_dim3A : vector<576x1xf32> to vector<576x128xf32>
    %add3A_682 = arith.addf %add3A_681, %slice3A_680 : vector<576x128xf32>
    %slice3A_683 = vector.extract_strided_slice %broadcast_in_dim3A_665 {offsets = [0, 128], sizes = [1, 128], strides = [1, 1]} : vector<1x2048xf32> to vector<1x128xf32>
    %add3A_684 = vector.broadcast %slice3A_683 : vector<1x128xf32> to vector<576x128xf32>
    %add3A_685 = arith.addf %add3A_682, %add3A_684 : vector<576x128xf32>
    %add3A_686 = arith.constant 6272 : i32
    %add3A_687 = vector.broadcast %add3A_686 : i32 to vector<576x128xi32>
    %add3A_688 = arith.addi %iota3A, %add3A_687 : vector<576x128xi32>
    %lt3A_689 = arith.cmpf olt, %add3A_685, %add3A_676 : vector<576x128xf32>
    %min3A_690 = arith.minimumf %add3A_676, %add3A_685 : vector<576x128xf32>
    %select_n3A_691 = arith.select %lt3A_689, %add3A_688, %add3A_679 : vector<576x128xi1>, vector<576x128xi32>
    %slice3A_692 = vector.extract_strided_slice %dot_general3A_670 {offsets = [0, 256], sizes = [576, 128], strides = [1, 1]} : vector<576x2048xf32> to vector<576x128xf32>
    %add3A_693 = vector.broadcast %broadcast_in_dim3A : vector<576x1xf32> to vector<576x128xf32>
    %add3A_694 = arith.addf %add3A_693, %slice3A_692 : vector<576x128xf32>
    %slice3A_695 = vector.extract_strided_slice %broadcast_in_dim3A_665 {offsets = [0, 256], sizes = [1, 128], strides = [1, 1]} : vector<1x2048xf32> to vector<1x128xf32>
    %add3A_696 = vector.broadcast %slice3A_695 : vector<1x128xf32> to vector<576x128xf32>
    %add3A_697 = arith.addf %add3A_694, %add3A_696 : vector<576x128xf32>
    %add3A_698 = arith.constant 6400 : i32
    %add3A_699 = vector.broadcast %add3A_698 : i32 to vector<576x128xi32>
    %add3A_700 = arith.addi %iota3A, %add3A_699 : vector<576x128xi32>
    %lt3A_701 = arith.cmpf olt, %add3A_697, %min3A_690 : vector<576x128xf32>
    %min3A_702 = arith.minimumf %min3A_690, %add3A_697 : vector<576x128xf32>
    %select_n3A_703 = arith.select %lt3A_701, %add3A_700, %select_n3A_691 : vector<576x128xi1>, vector<576x128xi32>
    %slice3A_704 = vector.extract_strided_slice %dot_general3A_670 {offsets = [0, 384], sizes = [576, 128], strides = [1, 1]} : vector<576x2048xf32> to vector<576x128xf32>
    %add3A_705 = vector.broadcast %broadcast_in_dim3A : vector<576x1xf32> to vector<576x128xf32>
    %add3A_706 = arith.addf %add3A_705, %slice3A_704 : vector<576x128xf32>
    %slice3A_707 = vector.extract_strided_slice %broadcast_in_dim3A_665 {offsets = [0, 384], sizes = [1, 128], strides = [1, 1]} : vector<1x2048xf32> to vector<1x128xf32>
    %add3A_708 = vector.broadcast %slice3A_707 : vector<1x128xf32> to vector<576x128xf32>
    %add3A_709 = arith.addf %add3A_706, %add3A_708 : vector<576x128xf32>
    %add3A_710 = arith.constant 6528 : i32
    %add3A_711 = vector.broadcast %add3A_710 : i32 to vector<576x128xi32>
    %add3A_712 = arith.addi %iota3A, %add3A_711 : vector<576x128xi32>
    %lt3A_713 = arith.cmpf olt, %add3A_709, %min3A_702 : vector<576x128xf32>
    %min3A_714 = arith.minimumf %min3A_702, %add3A_709 : vector<576x128xf32>
    %select_n3A_715 = arith.select %lt3A_713, %add3A_712, %select_n3A_703 : vector<576x128xi1>, vector<576x128xi32>
    %slice3A_716 = vector.extract_strided_slice %dot_general3A_670 {offsets = [0, 512], sizes = [576, 128], strides = [1, 1]} : vector<576x2048xf32> to vector<576x128xf32>
    %add3A_717 = vector.broadcast %broadcast_in_dim3A : vector<576x1xf32> to vector<576x128xf32>
    %add3A_718 = arith.addf %add3A_717, %slice3A_716 : vector<576x128xf32>
    %slice3A_719 = vector.extract_strided_slice %broadcast_in_dim3A_665 {offsets = [0, 512], sizes = [1, 128], strides = [1, 1]} : vector<1x2048xf32> to vector<1x128xf32>
    %add3A_720 = vector.broadcast %slice3A_719 : vector<1x128xf32> to vector<576x128xf32>
    %add3A_721 = arith.addf %add3A_718, %add3A_720 : vector<576x128xf32>
    %add3A_722 = arith.constant 6656 : i32
    %add3A_723 = vector.broadcast %add3A_722 : i32 to vector<576x128xi32>
    %add3A_724 = arith.addi %iota3A, %add3A_723 : vector<576x128xi32>
    %lt3A_725 = arith.cmpf olt, %add3A_721, %min3A_714 : vector<576x128xf32>
    %min3A_726 = arith.minimumf %min3A_714, %add3A_721 : vector<576x128xf32>
    %select_n3A_727 = arith.select %lt3A_725, %add3A_724, %select_n3A_715 : vector<576x128xi1>, vector<576x128xi32>
    %slice3A_728 = vector.extract_strided_slice %dot_general3A_670 {offsets = [0, 640], sizes = [576, 128], strides = [1, 1]} : vector<576x2048xf32> to vector<576x128xf32>
    %add3A_729 = vector.broadcast %broadcast_in_dim3A : vector<576x1xf32> to vector<576x128xf32>
    %add3A_730 = arith.addf %add3A_729, %slice3A_728 : vector<576x128xf32>
    %slice3A_731 = vector.extract_strided_slice %broadcast_in_dim3A_665 {offsets = [0, 640], sizes = [1, 128], strides = [1, 1]} : vector<1x2048xf32> to vector<1x128xf32>
    %add3A_732 = vector.broadcast %slice3A_731 : vector<1x128xf32> to vector<576x128xf32>
    %add3A_733 = arith.addf %add3A_730, %add3A_732 : vector<576x128xf32>
    %add3A_734 = arith.constant 6784 : i32
    %add3A_735 = vector.broadcast %add3A_734 : i32 to vector<576x128xi32>
    %add3A_736 = arith.addi %iota3A, %add3A_735 : vector<576x128xi32>
    %lt3A_737 = arith.cmpf olt, %add3A_733, %min3A_726 : vector<576x128xf32>
    %min3A_738 = arith.minimumf %min3A_726, %add3A_733 : vector<576x128xf32>
    %select_n3A_739 = arith.select %lt3A_737, %add3A_736, %select_n3A_727 : vector<576x128xi1>, vector<576x128xi32>
    %slice3A_740 = vector.extract_strided_slice %dot_general3A_670 {offsets = [0, 768], sizes = [576, 128], strides = [1, 1]} : vector<576x2048xf32> to vector<576x128xf32>
    %add3A_741 = vector.broadcast %broadcast_in_dim3A : vector<576x1xf32> to vector<576x128xf32>
    %add3A_742 = arith.addf %add3A_741, %slice3A_740 : vector<576x128xf32>
    %slice3A_743 = vector.extract_strided_slice %broadcast_in_dim3A_665 {offsets = [0, 768], sizes = [1, 128], strides = [1, 1]} : vector<1x2048xf32> to vector<1x128xf32>
    %add3A_744 = vector.broadcast %slice3A_743 : vector<1x128xf32> to vector<576x128xf32>
    %add3A_745 = arith.addf %add3A_742, %add3A_744 : vector<576x128xf32>
    %add3A_746 = arith.constant 6912 : i32
    %add3A_747 = vector.broadcast %add3A_746 : i32 to vector<576x128xi32>
    %add3A_748 = arith.addi %iota3A, %add3A_747 : vector<576x128xi32>
    %lt3A_749 = arith.cmpf olt, %add3A_745, %min3A_738 : vector<576x128xf32>
    %min3A_750 = arith.minimumf %min3A_738, %add3A_745 : vector<576x128xf32>
    %select_n3A_751 = arith.select %lt3A_749, %add3A_748, %select_n3A_739 : vector<576x128xi1>, vector<576x128xi32>
    %slice3A_752 = vector.extract_strided_slice %dot_general3A_670 {offsets = [0, 896], sizes = [576, 128], strides = [1, 1]} : vector<576x2048xf32> to vector<576x128xf32>
    %add3A_753 = vector.broadcast %broadcast_in_dim3A : vector<576x1xf32> to vector<576x128xf32>
    %add3A_754 = arith.addf %add3A_753, %slice3A_752 : vector<576x128xf32>
    %slice3A_755 = vector.extract_strided_slice %broadcast_in_dim3A_665 {offsets = [0, 896], sizes = [1, 128], strides = [1, 1]} : vector<1x2048xf32> to vector<1x128xf32>
    %add3A_756 = vector.broadcast %slice3A_755 : vector<1x128xf32> to vector<576x128xf32>
    %add3A_757 = arith.addf %add3A_754, %add3A_756 : vector<576x128xf32>
    %add3A_758 = arith.constant 7040 : i32
    %add3A_759 = vector.broadcast %add3A_758 : i32 to vector<576x128xi32>
    %add3A_760 = arith.addi %iota3A, %add3A_759 : vector<576x128xi32>
    %lt3A_761 = arith.cmpf olt, %add3A_757, %min3A_750 : vector<576x128xf32>
    %min3A_762 = arith.minimumf %min3A_750, %add3A_757 : vector<576x128xf32>
    %select_n3A_763 = arith.select %lt3A_761, %add3A_760, %select_n3A_751 : vector<576x128xi1>, vector<576x128xi32>
    %slice3A_764 = vector.extract_strided_slice %dot_general3A_670 {offsets = [0, 1024], sizes = [576, 128], strides = [1, 1]} : vector<576x2048xf32> to vector<576x128xf32>
    %add3A_765 = vector.broadcast %broadcast_in_dim3A : vector<576x1xf32> to vector<576x128xf32>
    %add3A_766 = arith.addf %add3A_765, %slice3A_764 : vector<576x128xf32>
    %slice3A_767 = vector.extract_strided_slice %broadcast_in_dim3A_665 {offsets = [0, 1024], sizes = [1, 128], strides = [1, 1]} : vector<1x2048xf32> to vector<1x128xf32>
    %add3A_768 = vector.broadcast %slice3A_767 : vector<1x128xf32> to vector<576x128xf32>
    %add3A_769 = arith.addf %add3A_766, %add3A_768 : vector<576x128xf32>
    %add3A_770 = arith.constant 7168 : i32
    %add3A_771 = vector.broadcast %add3A_770 : i32 to vector<576x128xi32>
    %add3A_772 = arith.addi %iota3A, %add3A_771 : vector<576x128xi32>
    %lt3A_773 = arith.cmpf olt, %add3A_769, %min3A_762 : vector<576x128xf32>
    %min3A_774 = arith.minimumf %min3A_762, %add3A_769 : vector<576x128xf32>
    %select_n3A_775 = arith.select %lt3A_773, %add3A_772, %select_n3A_763 : vector<576x128xi1>, vector<576x128xi32>
    %slice3A_776 = vector.extract_strided_slice %dot_general3A_670 {offsets = [0, 1152], sizes = [576, 128], strides = [1, 1]} : vector<576x2048xf32> to vector<576x128xf32>
    %add3A_777 = vector.broadcast %broadcast_in_dim3A : vector<576x1xf32> to vector<576x128xf32>
    %add3A_778 = arith.addf %add3A_777, %slice3A_776 : vector<576x128xf32>
    %slice3A_779 = vector.extract_strided_slice %broadcast_in_dim3A_665 {offsets = [0, 1152], sizes = [1, 128], strides = [1, 1]} : vector<1x2048xf32> to vector<1x128xf32>
    %add3A_780 = vector.broadcast %slice3A_779 : vector<1x128xf32> to vector<576x128xf32>
    %add3A_781 = arith.addf %add3A_778, %add3A_780 : vector<576x128xf32>
    %add3A_782 = arith.constant 7296 : i32
    %add3A_783 = vector.broadcast %add3A_782 : i32 to vector<576x128xi32>
    %add3A_784 = arith.addi %iota3A, %add3A_783 : vector<576x128xi32>
    %lt3A_785 = arith.cmpf olt, %add3A_781, %min3A_774 : vector<576x128xf32>
    %min3A_786 = arith.minimumf %min3A_774, %add3A_781 : vector<576x128xf32>
    %select_n3A_787 = arith.select %lt3A_785, %add3A_784, %select_n3A_775 : vector<576x128xi1>, vector<576x128xi32>
    %slice3A_788 = vector.extract_strided_slice %dot_general3A_670 {offsets = [0, 1280], sizes = [576, 128], strides = [1, 1]} : vector<576x2048xf32> to vector<576x128xf32>
    %add3A_789 = vector.broadcast %broadcast_in_dim3A : vector<576x1xf32> to vector<576x128xf32>
    %add3A_790 = arith.addf %add3A_789, %slice3A_788 : vector<576x128xf32>
    %slice3A_791 = vector.extract_strided_slice %broadcast_in_dim3A_665 {offsets = [0, 1280], sizes = [1, 128], strides = [1, 1]} : vector<1x2048xf32> to vector<1x128xf32>
    %add3A_792 = vector.broadcast %slice3A_791 : vector<1x128xf32> to vector<576x128xf32>
    %add3A_793 = arith.addf %add3A_790, %add3A_792 : vector<576x128xf32>
    %add3A_794 = arith.constant 7424 : i32
    %add3A_795 = vector.broadcast %add3A_794 : i32 to vector<576x128xi32>
    %add3A_796 = arith.addi %iota3A, %add3A_795 : vector<576x128xi32>
    %lt3A_797 = arith.cmpf olt, %add3A_793, %min3A_786 : vector<576x128xf32>
    %min3A_798 = arith.minimumf %min3A_786, %add3A_793 : vector<576x128xf32>
    %select_n3A_799 = arith.select %lt3A_797, %add3A_796, %select_n3A_787 : vector<576x128xi1>, vector<576x128xi32>
    %slice3A_800 = vector.extract_strided_slice %dot_general3A_670 {offsets = [0, 1408], sizes = [576, 128], strides = [1, 1]} : vector<576x2048xf32> to vector<576x128xf32>
    %add3A_801 = vector.broadcast %broadcast_in_dim3A : vector<576x1xf32> to vector<576x128xf32>
    %add3A_802 = arith.addf %add3A_801, %slice3A_800 : vector<576x128xf32>
    %slice3A_803 = vector.extract_strided_slice %broadcast_in_dim3A_665 {offsets = [0, 1408], sizes = [1, 128], strides = [1, 1]} : vector<1x2048xf32> to vector<1x128xf32>
    %add3A_804 = vector.broadcast %slice3A_803 : vector<1x128xf32> to vector<576x128xf32>
    %add3A_805 = arith.addf %add3A_802, %add3A_804 : vector<576x128xf32>
    %add3A_806 = arith.constant 7552 : i32
    %add3A_807 = vector.broadcast %add3A_806 : i32 to vector<576x128xi32>
    %add3A_808 = arith.addi %iota3A, %add3A_807 : vector<576x128xi32>
    %lt3A_809 = arith.cmpf olt, %add3A_805, %min3A_798 : vector<576x128xf32>
    %min3A_810 = arith.minimumf %min3A_798, %add3A_805 : vector<576x128xf32>
    %select_n3A_811 = arith.select %lt3A_809, %add3A_808, %select_n3A_799 : vector<576x128xi1>, vector<576x128xi32>
    %slice3A_812 = vector.extract_strided_slice %dot_general3A_670 {offsets = [0, 1536], sizes = [576, 128], strides = [1, 1]} : vector<576x2048xf32> to vector<576x128xf32>
    %add3A_813 = vector.broadcast %broadcast_in_dim3A : vector<576x1xf32> to vector<576x128xf32>
    %add3A_814 = arith.addf %add3A_813, %slice3A_812 : vector<576x128xf32>
    %slice3A_815 = vector.extract_strided_slice %broadcast_in_dim3A_665 {offsets = [0, 1536], sizes = [1, 128], strides = [1, 1]} : vector<1x2048xf32> to vector<1x128xf32>
    %add3A_816 = vector.broadcast %slice3A_815 : vector<1x128xf32> to vector<576x128xf32>
    %add3A_817 = arith.addf %add3A_814, %add3A_816 : vector<576x128xf32>
    %add3A_818 = arith.constant 7680 : i32
    %add3A_819 = vector.broadcast %add3A_818 : i32 to vector<576x128xi32>
    %add3A_820 = arith.addi %iota3A, %add3A_819 : vector<576x128xi32>
    %lt3A_821 = arith.cmpf olt, %add3A_817, %min3A_810 : vector<576x128xf32>
    %min3A_822 = arith.minimumf %min3A_810, %add3A_817 : vector<576x128xf32>
    %select_n3A_823 = arith.select %lt3A_821, %add3A_820, %select_n3A_811 : vector<576x128xi1>, vector<576x128xi32>
    %slice3A_824 = vector.extract_strided_slice %dot_general3A_670 {offsets = [0, 1664], sizes = [576, 128], strides = [1, 1]} : vector<576x2048xf32> to vector<576x128xf32>
    %add3A_825 = vector.broadcast %broadcast_in_dim3A : vector<576x1xf32> to vector<576x128xf32>
    %add3A_826 = arith.addf %add3A_825, %slice3A_824 : vector<576x128xf32>
    %slice3A_827 = vector.extract_strided_slice %broadcast_in_dim3A_665 {offsets = [0, 1664], sizes = [1, 128], strides = [1, 1]} : vector<1x2048xf32> to vector<1x128xf32>
    %add3A_828 = vector.broadcast %slice3A_827 : vector<1x128xf32> to vector<576x128xf32>
    %add3A_829 = arith.addf %add3A_826, %add3A_828 : vector<576x128xf32>
    %add3A_830 = arith.constant 7808 : i32
    %add3A_831 = vector.broadcast %add3A_830 : i32 to vector<576x128xi32>
    %add3A_832 = arith.addi %iota3A, %add3A_831 : vector<576x128xi32>
    %lt3A_833 = arith.cmpf olt, %add3A_829, %min3A_822 : vector<576x128xf32>
    %min3A_834 = arith.minimumf %min3A_822, %add3A_829 : vector<576x128xf32>
    %select_n3A_835 = arith.select %lt3A_833, %add3A_832, %select_n3A_823 : vector<576x128xi1>, vector<576x128xi32>
    %slice3A_836 = vector.extract_strided_slice %dot_general3A_670 {offsets = [0, 1792], sizes = [576, 128], strides = [1, 1]} : vector<576x2048xf32> to vector<576x128xf32>
    %add3A_837 = vector.broadcast %broadcast_in_dim3A : vector<576x1xf32> to vector<576x128xf32>
    %add3A_838 = arith.addf %add3A_837, %slice3A_836 : vector<576x128xf32>
    %slice3A_839 = vector.extract_strided_slice %broadcast_in_dim3A_665 {offsets = [0, 1792], sizes = [1, 128], strides = [1, 1]} : vector<1x2048xf32> to vector<1x128xf32>
    %add3A_840 = vector.broadcast %slice3A_839 : vector<1x128xf32> to vector<576x128xf32>
    %add3A_841 = arith.addf %add3A_838, %add3A_840 : vector<576x128xf32>
    %add3A_842 = arith.constant 7936 : i32
    %add3A_843 = vector.broadcast %add3A_842 : i32 to vector<576x128xi32>
    %add3A_844 = arith.addi %iota3A, %add3A_843 : vector<576x128xi32>
    %lt3A_845 = arith.cmpf olt, %add3A_841, %min3A_834 : vector<576x128xf32>
    %min3A_846 = arith.minimumf %min3A_834, %add3A_841 : vector<576x128xf32>
    %select_n3A_847 = arith.select %lt3A_845, %add3A_844, %select_n3A_835 : vector<576x128xi1>, vector<576x128xi32>
    %slice3A_848 = vector.extract_strided_slice %dot_general3A_670 {offsets = [0, 1920], sizes = [576, 128], strides = [1, 1]} : vector<576x2048xf32> to vector<576x128xf32>
    %add3A_849 = vector.broadcast %broadcast_in_dim3A : vector<576x1xf32> to vector<576x128xf32>
    %add3A_850 = arith.addf %add3A_849, %slice3A_848 : vector<576x128xf32>
    %slice3A_851 = vector.extract_strided_slice %broadcast_in_dim3A_665 {offsets = [0, 1920], sizes = [1, 128], strides = [1, 1]} : vector<1x2048xf32> to vector<1x128xf32>
    %add3A_852 = vector.broadcast %slice3A_851 : vector<1x128xf32> to vector<576x128xf32>
    %add3A_853 = arith.addf %add3A_850, %add3A_852 : vector<576x128xf32>
    %add3A_854 = arith.constant 8064 : i32
    %add3A_855 = vector.broadcast %add3A_854 : i32 to vector<576x128xi32>
    %add3A_856 = arith.addi %iota3A, %add3A_855 : vector<576x128xi32>
    %lt3A_857 = arith.cmpf olt, %add3A_853, %min3A_846 : vector<576x128xf32>
    %min3A_858 = arith.minimumf %min3A_846, %add3A_853 : vector<576x128xf32>
    %select_n3A_859 = arith.select %lt3A_857, %add3A_856, %select_n3A_847 : vector<576x128xi1>, vector<576x128xi32>
    %reduce_min3A_860 = arith.constant dense<0x7F800000> : vector<576xf32>
    %reduce_min3A_861 = vector.multi_reduction <minimumf>, %min3A_858, %reduce_min3A_860 [1] : vector<576x128xf32> to vector<576xf32>
    %broadcast_in_dim3A_862 = vector.shape_cast %reduce_min3A_861 : vector<576xf32> to vector<576x1xf32>
    %eq3A_863 = vector.broadcast %broadcast_in_dim3A_862 : vector<576x1xf32> to vector<576x128xf32>
    %eq3A_864 = arith.cmpf oeq, %min3A_858, %eq3A_863 : vector<576x128xf32>
    %jit3A_865 = arith.constant 8192 : i32
    %broadcast_in_dim3A_866 = vector.broadcast %jit3A_865 : i32 to vector<576x128xi32>
    %select_n3A_867 = arith.select %eq3A_864, %select_n3A_859, %broadcast_in_dim3A_866 : vector<576x128xi1>, vector<576x128xi32>
    %reduce_min3A_868 = arith.constant dense<2147483647> : vector<576xi32>
    %reduce_min3A_869 = vector.multi_reduction <minsi>, %select_n3A_867, %reduce_min3A_868 [1] : vector<576x128xi32> to vector<576xi32>
    %broadcast_in_dim3A_870 = vector.shape_cast %reduce_min3A_869 : vector<576xi32> to vector<576x1xi32>
    %lt3A_871 = arith.cmpf olt, %broadcast_in_dim3A_862, %select_n3A_658 : vector<576x1xf32>
    %select_n3A_872 = arith.select %lt3A_871, %broadcast_in_dim3A_870, %select_n3A_656 : vector<576x1xi1>, vector<576x1xi32>
    %select_n3A_873 = arith.select %lt3A_871, %broadcast_in_dim3A_862, %select_n3A_657 : vector<576x1xi1>, vector<576x1xf32>
    %squeeze3A = vector.shape_cast %select_n3A_872 : vector<576x1xi32> to vector<576xi32>
    %swap3A = arith.constant 0 : index
    %swap3A_874 = arith.constant 0 : index
    %swap3A_875 = arith.constant 0 : index
    %swap3A_876 = vector.load %arg5[%swap3A, %swap3A_874, %swap3A_875] : memref<1x1x576xi32, #tpu.memory_space<vmem>>, vector<1x1x576xi32>
    %swap3A_877 = vector.shape_cast %swap3A_876 : vector<1x1x576xi32> to vector<576xi32>
    %swap3A_878 = vector.shape_cast %squeeze3A : vector<576xi32> to vector<1x1x576xi32>
    tpu.vector_store %arg5[%swap3A, %swap3A_874, %swap3A_875], %swap3A_878 {strides = array<i32>} : memref<1x1x576xi32, #tpu.memory_space<vmem>>, vector<1x1x576xi32>,
    %reduce_sum3A_879 = vector.shape_cast %select_n3A_873 : vector<576x1xf32> to vector<1x576x1xf32>
    %reduce_sum3A_880 = arith.constant dense<0.000000e+00> : vector<1xf32>
    %reduce_sum3A_881 = vector.multi_reduction <add>, %reduce_sum3A_879, %reduce_sum3A_880 [1, 2] : vector<1x576x1xf32> to vector<1xf32>
    %reduce_sum3A_882 = vector.shape_cast %reduce_sum3A_881 : vector<1xf32> to vector<1x1x1xf32>
    %reduce_sum3A_883 = vector.extract %reduce_sum3A_882[0, 0, 0] : f32 from vector<1x1x1xf32>
    %eq3A_884 = arith.constant 0 : i32
    %eq3A_885 = arith.cmpi eq, %arg0, %eq3A_884 : i32
    %convert_element_type3A_886 = arith.extui %eq3A_885 : i1 to i32
    %cond3A_887 = arith.constant 0 : i32
    %cond3A_888 = arith.cmpi ne, %convert_element_type3A_886, %cond3A_887 : i32
    scf.if %cond3A_888 {
      %swap3A_893 = arith.constant 0 : index
      %swap3A_894 = arith.constant 0 : index
      %swap3A_895 = memref.load %arg6[%swap3A_893, %swap3A_894] : memref<1x1xf32, #tpu.memory_space<smem>>
      memref.store %reduce_sum3A_883, %arg6[%swap3A_893, %swap3A_894] : memref<1x1xf32, #tpu.memory_space<smem>>
    } else {
    }
    %gt3A = arith.constant 0 : i32
    %gt3A_889 = arith.cmpi sgt, %arg0, %gt3A : i32
    %convert_element_type3A_890 = arith.extui %gt3A_889 : i1 to i32
    %cond3A_891 = arith.constant 0 : i32
    %cond3A_892 = arith.cmpi ne, %convert_element_type3A_890, %cond3A_891 : i32
    scf.if %cond3A_892 {
      %get3A_893 = arith.constant 0 : index
      %get3A_894 = arith.constant 0 : index
      %get3A_895 = memref.load %arg6[%get3A_893, %get3A_894] : memref<1x1xf32, #tpu.memory_space<smem>>
      %add3A_896 = arith.addf %get3A_895, %reduce_sum3A_883 : f32
      %swap3A_897 = arith.constant 0 : index
      %swap3A_898 = arith.constant 0 : index
      %swap3A_899 = memref.load %arg6[%swap3A_897, %swap3A_898] : memref<1x1xf32, #tpu.memory_space<smem>>
      memref.store %add3A_896, %arg6[%swap3A_897, %swap3A_898] : memref<1x1xf32, #tpu.memory_space<smem>>
    } else {
    }
    return
  }
  func.func @transform_0(%arg0: i32) -> (i32, i32, i32) {
    %c0_i32 = arith.constant 0 : i32
    %c0_i32_0 = arith.constant 0 : i32
    %c0_i32_1 = arith.constant 0 : i32
    return %arg0, %c0_i32, %c0_i32_0 : i32, i32, i32
  }
  func.func @transform_1(%arg0: i32) -> (i32, i32) {
    %c0_i32 = arith.constant 0 : i32
    %c0_i32_0 = arith.constant 0 : i32
    %c0_i32_1 = arith.constant 0 : i32
    return %c0_i32, %c0_i32_0 : i32, i32
  }
  func.func @transform_2(%arg0: i32) -> (i32, i32) {
    %c0_i32 = arith.constant 0 : i32
    %c0_i32_0 = arith.constant 0 : i32
    %c0_i32_1 = arith.constant 0 : i32
    return %c0_i32, %c0_i32_0 : i32, i32
  }
  func.func @transform_3(%arg0: i32) -> (i32, i32) {
    %c0_i32 = arith.constant 0 : i32
    %c0_i32_0 = arith.constant 0 : i32
    %c0_i32_1 = arith.constant 0 : i32
    return %c0_i32, %c0_i32_0 : i32, i32
  }
  func.func @transform_4(%arg0: i32) -> (i32, i32, i32) {
    %c0_i32 = arith.constant 0 : i32
    %c0_i32_0 = arith.constant 0 : i32
    %c0_i32_1 = arith.constant 0 : i32
    return %arg0, %c0_i32, %c0_i32_0 : i32, i32, i32
  }
  func.func @transform_5(%arg0: i32) -> (i32, i32) {
    %c0_i32 = arith.constant 0 : i32
    %c0_i32_0 = arith.constant 0 : i32
    %c0_i32_1 = arith.constant 0 : i32
    return %c0_i32, %c0_i32_0 : i32, i32
  }
  func.func @transform_6(%arg0: i32) -> (i32, i32) {
    %c0_i32 = arith.constant 0 : i32
    %c0_i32_0 = arith.constant 0 : i32
    %c0_i32_1 = arith.constant 0 : i32
    return %c0_i32, %c0_i32_0 : i32, i32
  }
}

module attributes {stable_mosaic.version = 14 : i64} {
  func.func @_proj_body(%arg0: i32, %arg1: memref<1x576x128xf32, #tpu.memory_space<vmem>>, %arg2: memref<64x768xf32, #tpu.memory_space<vmem>>, %arg3: memref<768x1xf32, #tpu.memory_space<vmem>>, %arg4: memref<1x768x576xf32, #tpu.memory_space<vmem>>) attributes {dimension_semantics = [#tpu.dimension_semantics<arbitrary>], iteration_bounds = array<i64: 16>, scalar_prefetch = 0 : i64, scratch_operands = 0 : i64, tpu.core_type = #tpu.core_type<tc>, window_params = [{transform_indices = @transform_0, window_bounds = array<i64: 1, 576, 128>}, {pipeline_mode = #tpu.pipeline_mode<synchronous>, transform_indices = @transform_1, window_bounds = array<i64: 64, 768>}, {pipeline_mode = #tpu.pipeline_mode<synchronous>, transform_indices = @transform_2, window_bounds = array<i64: 768, 1>}, {transform_indices = @transform_3, window_bounds = array<i64: 1, 768, 576>}]} {
    %get3A = arith.constant 0 : index
    %get3A_0 = arith.constant 0 : index
    %get3A_1 = arith.constant 0 : index
    %get3A_2 = vector.load %arg1[%get3A, %get3A_0, %get3A_1] : memref<1x576x128xf32, #tpu.memory_space<vmem>>, vector<1x576x128xf32>
    %get3A_3 = vector.shape_cast %get3A_2 : vector<1x576x128xf32> to vector<576x128xf32>
    %slice3A = vector.extract_strided_slice %get3A_3 {offsets = [0, 0], sizes = [576, 64], strides = [1, 1]} : vector<576x128xf32> to vector<576x64xf32>
    %get3A_4 = arith.constant 0 : index
    %get3A_5 = arith.constant 0 : index
    %get3A_6 = vector.load %arg2[%get3A_4, %get3A_5] : memref<64x768xf32, #tpu.memory_space<vmem>>, vector<64x768xf32>
    %dot_general3A = arith.constant dense<0.000000e+00> : vector<768x576xf32>
    %dot_general3A_7 = tpu.matmul %get3A_6, %slice3A, %dot_general3A {dimension_numbers = #tpu.dot_dimension_numbers<[0], [1], [1], [0], [0, 1, 1, 0], [], []>, transpose_lhs_hint = false} : vector<64x768xf32>, vector<576x64xf32>, vector<768x576xf32> -> vector<768x576xf32>
    %get3A_8 = arith.constant 0 : index
    %get3A_9 = arith.constant 0 : index
    %get3A_10 = vector.load %arg3[%get3A_8, %get3A_9] : memref<768x1xf32, #tpu.memory_space<vmem>>, vector<768x1xf32>
    %add3A = vector.broadcast %get3A_10 : vector<768x1xf32> to vector<768x576xf32>
    %add3A_11 = arith.addf %dot_general3A_7, %add3A : vector<768x576xf32>
    %swap3A = arith.constant 0 : index
    %swap3A_12 = arith.constant 0 : index
    %swap3A_13 = arith.constant 0 : index
    %swap3A_14 = vector.load %arg4[%swap3A, %swap3A_12, %swap3A_13] : memref<1x768x576xf32, #tpu.memory_space<vmem>>, vector<1x768x576xf32>
    %swap3A_15 = vector.shape_cast %swap3A_14 : vector<1x768x576xf32> to vector<768x576xf32>
    %swap3A_16 = vector.shape_cast %add3A_11 : vector<768x576xf32> to vector<1x768x576xf32>
    tpu.vector_store %arg4[%swap3A, %swap3A_12, %swap3A_13], %swap3A_16 {strides = array<i32>} : memref<1x768x576xf32, #tpu.memory_space<vmem>>, vector<1x768x576xf32>,
    return
  }
  func.func @transform_0(%arg0: i32) -> (i32, i32, i32) {
    %c0_i32 = arith.constant 0 : i32
    %c0_i32_0 = arith.constant 0 : i32
    %c0_i32_1 = arith.constant 0 : i32
    return %arg0, %c0_i32, %c0_i32_0 : i32, i32, i32
  }
  func.func @transform_1(%arg0: i32) -> (i32, i32) {
    %c0_i32 = arith.constant 0 : i32
    %c0_i32_0 = arith.constant 0 : i32
    %c0_i32_1 = arith.constant 0 : i32
    return %c0_i32, %c0_i32_0 : i32, i32
  }
  func.func @transform_2(%arg0: i32) -> (i32, i32) {
    %c0_i32 = arith.constant 0 : i32
    %c0_i32_0 = arith.constant 0 : i32
    %c0_i32_1 = arith.constant 0 : i32
    return %c0_i32, %c0_i32_0 : i32, i32
  }
  func.func @transform_3(%arg0: i32) -> (i32, i32, i32) {
    %c0_i32 = arith.constant 0 : i32
    %c0_i32_0 = arith.constant 0 : i32
    %c0_i32_1 = arith.constant 0 : i32
    return %arg0, %c0_i32, %c0_i32_0 : i32, i32, i32
  }
}

</mosaic_0001>

<sc_bundles>
// kernel: kernel.5.cloned.1.call-start
scs
__scs_entry_jumppad:
0x0: {  	(pc) =	sbr.rel $0x88, $3  }
0x1: {  	(tag) =	ssettag $0x0;
	lr =	simm.s32 $0x1  }
0x2: {  	[smem:$0x3F9B] =	sst lr;
	_ =	strace $0xD0000000  }
0x3: {  	_ = 	snop  }
0x4: {  	_ = 	snop  }
0x5: {  	_ = 	snop  }
0x6: {  	_ = 	snop  }
0x7: {  	_ = 	snop  }
__scs_overlays_trampoline_lowered:
0x8: {  	[smem:$0x3FAA] =	sst s0  }
0x9: {  	[smem:$0x3FAB] =	sst s1  }
0xa: {  	[smem:$0x3FAC] =	sst s2  }
0xb: {  	[smem:$0x3FAD] =	sst s3  }
0xc: {  	[smem:$0x3FAE] =	sst s4  }
0xd: {  	[smem:$0x3FAF] =	sst s5  }
0xe: {  	[smem:$0x3FB0] =	sst s6  }
0xf: {  	[smem:$0x3FB1] =	sst s7  }
0x10: {  	[smem:$0x3FB2] =	sst s8  }
0x11: {  	[smem:$0x3FB3] =	sst s9;
	s0 =	simm.s32 @!p0 $0x0  }
0x12: {  	s1 =	sld [smem:$0x3F99];
	s0 =	simm.s32 @p0 $0x1  }
0x13: {  	[smem:$0x3FB4] =	sst s0;
	s0 =	simm.s32 @!p1 $0x0  }
0x14: {  	s2 =	sld [smem:$0x3F98];
	s0 =	simm.s32 @p1 $0x1  }
0x15: {  	[smem:$0x3FB5] =	sst s0;
	s0 =	simm.s32 @!p2 $0x0  }
0x16: {  	s3 =	sld [smem:$0x3FDB];
	s0 =	simm.s32 @p2 $0x1  }
0x17: {  	s4 =	simm.s32 $0x1BF5;
	[smem:$0x3FB7] =	sst s0  }
0x18: {  	s0 =	sld [smem:$0x3F9A];
	_ =	swait.ge [sflag:s4], $0x0  }
0x19: {  	s7 =	sld [smem:$0x3F9B]  }
0x1a: {  	s8 =	sadd.s32 $0xFFFFE003, lr  }
0x1b: {  	s9 =	sadd.s32 $0xFFFFFEF7, lr;
	s5 =	simm.s32 $0xFFFFFFFF;
	p2 =	slt.u32 s8, $0xFFFFF086  }
0x1c: {  	p1 =	slt.u32 s9, $0xF7A;
	s5 =	simm.s32 @!p2 $0x0  }
0x1d: {  	s5 =	simm.s32 @p1 $0x1;
	p0 =	seq.s32 s7, s2  }
0x1e: {  	s7 =	smul.u32 @!p0 $0xF7A, s2;
	p2 =	seq.s32 @!p0 s5, $0x0  }
0x1f: {  	s9 =	smul.u32 $0xF7A, s1;
	s8 =	simm.s32 @!p0 $0x1BF5;
	p2 =	por !p2, p0  }
0x20: {  	[sflag:s8] =	ssyncset.s32 @!p0 $0xFFFFF086;
	s6 =	sadd.s32 @!p0 s3, s7;
	s7 =	simm.s32 @!p0 $0x108  }
0x21: {  	s3 =	sadd.s32 s3, s9;
	s6 =	sadd.s32 @!p0 $0x88, s6;
	s7 =	simm.s32 @p2 $0x1082  }
0x22: {  	[simem:s7], [sflag:s8] =	dma.local @!p0 [hbm:s6], $0xF7A  }
0x23: {  	s9 =	sor.u32 $0xD0000000, s2;
	s6 =	simm.s32 $0x108;
	_ =	swait.ge @!p0 [sflag:s8], $0x0  }
0x24: {  	s3 =	sadd.s32 $0x88, s3;
	s6 =	simm.s32 @!p1 $0x1082;
	[sflag:s4] =	ssyncset.s32 $0xFFFFF086  }
0x25: {  	[simem:s6], [sflag:s4] =	dma.local [hbm:s3], $0xF7A  }
0x26: {  	[smem:$0x3F9B] =	sst s1;
	(tag) =	ssettag s2;
	_ =	strace s9  }
0x27: {  	s1 =	sld [smem:$0x3FAB]  }
0x28: {  	s2 =	sld [smem:$0x3FAC]  }
0x29: {  	s4 =	sld [smem:$0x3FAE]  }
0x2a: {  	p0 =	seq.s32 s5, $0x0;
	s5 =	sld [smem:$0x3FAF]  }
0x2b: {  	s6 =	sld [smem:$0x3FB0]  }
0x2c: {  	s7 =	sld [smem:$0x3FB1]  }
0x2d: {  	s3 =	simm.s32 $0x108;
	s8 =	sld [smem:$0x3FB2]  }
0x2e: {  	s3 =	simm.s32 @!p0 $0x1082;
	s9 =	sld [smem:$0x3FB3]  }
0x2f: {  	lr =	sadd.s32 s0, s3;
	s0 =	sld [smem:$0x3FAA]  }
0x30: {  	s3 =	sld [smem:$0x3FAD]  }
0x31: {  	[smem:$0x3FB6] =	sst s10  }
0x32: {  	s10 =	sld [smem:$0x3FB4];
	_ =	sdelay $0x3  }
0x33: {  	p0 =	seq.s32 s10, $0x1;
	s10 =	sld [smem:$0x3FB6];
	_ =	sdelay $0x3  }
0x34: {  	[smem:$0x3FB6] =	sst s10  }
0x35: {  	s10 =	sld [smem:$0x3FB5];
	_ =	sdelay $0x3  }
0x36: {  	p1 =	seq.s32 s10, $0x1;
	s10 =	sld [smem:$0x3FB6];
	_ =	sdelay $0x3  }
0x37: {  	[smem:$0x3FB6] =	sst s10  }
0x38: {  	s10 =	sld [smem:$0x3FB7]  }
0x39: {  	_ = 	snop;
	(pc) =	sbr.ind lr, $3  }
0x3a: {  	_ = 	snop  }
0x3b: {  	_ = 	snop  }
0x3c: {  	p2 =	seq.s32 s10, $0x1;
	s10 =	sld [smem:$0x3FB6]  }
0x3d: {  	_ =	shalt  }
0x3e: {  	_ =	shalt  }
0x3f: {  	_ =	shalt  }
0x40: {  	_ =	shalt  }
0x41: {  	_ =	shalt  }
0x42: {  	_ =	shalt  }
0x43: {  	_ =	shalt  }
0x44: {  	_ =	shalt  }
0x45: {  	_ =	shalt  }
0x46: {  	_ =	shalt  }
0x47: {  	_ =	shalt  }
0x48: {  	_ =	shalt  }
0x49: {  	_ =	shalt  }
0x4a: {  	_ =	shalt  }
0x4b: {  	_ =	shalt  }
0x4c: {  	_ =	shalt  }
0x4d: {  	_ =	shalt  }
0x4e: {  	_ =	shalt  }
0x4f: {  	_ =	shalt  }
0x50: {  	_ =	shalt  }
0x51: {  	_ =	shalt  }
0x52: {  	_ =	shalt  }
0x53: {  	_ =	shalt  }
0x54: {  	_ =	shalt  }
0x55: {  	_ =	shalt  }
0x56: {  	_ =	shalt  }
0x57: {  	_ =	shalt  }
0x58: {  	_ =	shalt  }
0x59: {  	_ =	shalt  }
0x5a: {  	_ =	shalt  }
0x5b: {  	_ =	shalt  }
0x5c: {  	_ =	shalt  }
0x5d: {  	_ =	shalt  }
0x5e: {  	_ =	shalt  }
0x5f: {  	_ =	shalt  }
0x60: {  	_ =	shalt  }
0x61: {  	_ =	shalt  }
0x62: {  	_ =	shalt  }
0x63: {  	_ =	shalt  }
0x64: {  	_ =	shalt  }
0x65: {  	_ =	shalt  }
0x66: {  	_ =	shalt  }
0x67: {  	_ =	shalt  }
0x68: {  	_ =	shalt  }
0x69: {  	_ =	shalt  }
0x6a: {  	_ =	shalt  }
0x6b: {  	_ =	shalt  }
0x6c: {  	_ =	shalt  }
0x6d: {  	_ =	shalt  }
0x6e: {  	_ =	shalt  }
0x6f: {  	_ =	shalt  }
0x70: {  	_ =	shalt  }
0x71: {  	_ =	shalt  }
0x72: {  	_ =	shalt  }
0x73: {  	_ =	shalt  }
0x74: {  	_ =	shalt  }
0x75: {  	_ =	shalt  }
0x76: {  	_ =	shalt  }
0x77: {  	_ =	shalt  }
0x78: {  	_ =	shalt  }
0x79: {  	_ =	shalt  }
0x7a: {  	_ =	shalt  }
0x7b: {  	_ =	shalt  }
0x7c: {  	_ =	shalt  }
0x7d: {  	_ =	shalt  }
0x7e: {  	_ =	shalt  }
0x7f: {  	_ =	shalt  }
0x80: {  	_ =	shalt  }
0x81: {  	_ =	shalt  }
0x82: {  	_ =	shalt  }
0x83: {  	_ =	shalt  }
0x84: {  	_ =	shalt  }
0x85: {  	_ =	shalt  }
0x86: {  	_ =	shalt  }
0x87: {  	_ =	shalt  }
.Lfunc_end0:
.L_simem_size_0:
called_computation_lowered:
.L_overlay_start_0:
0x88: {  	s2 =	sld [smem:$0x3FD9]  }
0x89: {  	s3 =	sld [smem:$0x3FFE];
	_ =	sdelay $0x1  }
0x8a: {  	s1 =	srdreg.scid  }
0x8b: {  	s0 =	sand.u32 $0x1, s1  }
0x8c: {  	s14 =	sshll.u32 s0, $0xA;
	s2 =	sadd.s32 s3, s2  }
0x8d: {  	s2 =	sadd.s32 s2, s14  }
0x8e: {  	[smem:$0x3FC2] =	sst s2  }
0x8f: {  	_ = 	snop  }
0x90: {  	s2 =	sld [smem:$0x3FD0];
	_ =	sdelay $0x2  }
0x91: {  	s15 =	simm.s32 $0xA;
	s4 =	simm.s32 $0x10  }
0x92: {  	[smem:s4], [sflag:s15] =	dma.local [hbm:s2], $0x1  }
0x93: {  	_ =	swait.eq [sflag:s15], $0x1  }
0x94: {  	[sflag:s15] =	ssyncset.done $0x0  }
0x95: {  	[sflag:s15] =	ssyncadd.s32 $0xFFFFFFFF  }
0x96: {  	s16 =	sld [smem:$0x10];
	(tm) =	ssettm $0x1  }
0x97: {  	s17 =	sld [smem:$0x3FFB];
	_ =	sdelay $0x3  }
0x98: {  	_ =	strace s17  }
0x99: {  	s3 =	sld [smem:$0x3FFC];
	_ =	sdelay $0x3  }
0x9a: {  	_ =	strace s3  }
0x9b: {  	s3 =	sld [smem:$0x3FFD];
	_ =	sdelay $0x3  }
0x9c: {  	_ =	strace s3  }
0x9d: {  	_ =	strace $0x8FFFFFFF  }
0x9e: {  	s18 =	sld [smem:$0x3FDB];
	_ =	sdelay $0x1  }
0x9f: {  	s19 =	simm.s32 $_scs_section_size  }
0xa0: {  	s5 =	simm.s32 $_size__tile_overlayer_lowered;
	s6 =	simm.s32 $_tile_overlayer_lowered  }
0xa1: {  	s22 =	simm.s32 $0x1BFF;
	s21 =	sshll.u32 s6, $0x1;
	s3 =	sadd.s32 s19, s18  }
0xa2: {  	s7 =	simm.s32 $0x0;
	s20 =	sshll.u32 s5, $0x1;
	s5 =	sadd.s32 s21, s3  }
0xa3: {  	[timem:s7], [sflag:s22] =	dma.local [hbm:s5], s20  }
0xa4: {  	_ =	swait.ge [sflag:s22], s20  }
0xa5: {  	s4 =	ssub.s32 $0x0, s20;
	[sflag:s22] =	ssyncset.done $0x0  }
0xa6: {  	[sflag:s22] =	ssyncadd.s32 s4;
	_ =	sdelay $0x1  }
0xa7: {  	s23 =	simm.s32 $0x1B8B  }
0xa8: {  	_ =	swait.ge [sflag:s23], $0x1  }
0xa9: {  	[sflag:s23] =	ssyncset.done $0x0  }
0xaa: {  	s25 =	simm.s32 $0x1B8E;
	s24 =	sld [smem:$0x3FFE];
	[sflag:s23] =	ssyncadd.s32 $0xFFFFFFFF  }
0xab: {  	s26 =	simm.s32 $execute0_lowered;
	[smem:$0x3FD2] =	sst s25  }
0xac: {  	s5 =	sshll.u32 s26, $0x1;
	_ =	strace $0x80000046;
	[dreg:$0x1] =	wrdreg $0xFFFFFFFF  }
0xad: {  	s28 =	simm.s32 $_size_execute0_lowered;
	s3 =	sadd.s32 s3, s5;
	[dreg:$0x0] =	wrdreg $0x0  }
0xae: {  	s5 =	sshll.u32 s28, $0x1;
	[dreg:$0x2] =	wrdreg s3  }
0xaf: {  	[dreg:$0x3] =	wrdreg s5  }
0xb0: {  	[dreg:$0x4] =	wrdreg $0xC0  }
0xb1: {  	_ =	task [dreg:s7], $0x5FFFF  }
0xb2: {  	[dreg:$0x1] =	wrdreg $0xFFFFFFFF  }
0xb3: {  	[dreg:$0x0] =	wrdreg $0x60  }
0xb4: {  	[dreg:$0x2] =	wrdreg s24  }
0xb5: {  	[dreg:$0x3] =	wrdreg s16  }
0xb6: {  	[dreg:$0x4] =	wrdreg $0x9  }
0xb7: {  	_ =	task.clear_ibuf [dreg:s7], $0x5FFFF;
	_ =	strace $0x90000046  }
0xb8: {  	s29 =	simm.s32 $0x9;
	_ =	strace $0x80000048  }
0xb9: {  	_ =	swait.ge [sflag:s29], $0x1  }
0xba: {  	[sflag:s29] =	ssyncadd.s32 $0xFFFFFFFF  }
0xbb: {  	_ =	strace $0x90000048  }
0xbc: {  	_ =	sfence  }
0xbd: {  	s30 =	sld [smem:$0x0];
	_ =	sdelay $0x2  }
0xbe: {  	s31 =	sshll.u32 s1, $0xD;
	s1 =	sshrl.u32 s1, $0x2  }
0xbf: {  	s3 =	sand.u32 $0x4000, s31;
	s1 =	sadd.s32 s1, s30  }
0xc0: {  	s0 =	sor.u32 s3, s0;
	s1 =	sshll.u32 s1, $0x11  }
0xc1: {  	s0 =	sor.u32 s1, s0  }
0xc2: {  	s0 =	sadd.s32 $0x8F2B, s0  }
0xc3: {  	[sflag:s0] =	ssyncadd.remote.s32 $0x1  }
0xc4: {  	_ =	sfence.sel $0xFFFF  }
0xc5: {  	[dreg:$0x0] =	wrdreg $0xFFFFFFFF;
	(pc) =	sbr.abs _section_cstart, $3  }
0xc6: {  	[dreg:$0x1] =	wrdreg $0xFFFFFFFF  }
0xc7: {  	_ =	task.clear_ibuf [dreg:s7], $0x2FFFF;
	_ =	strace $0x9FFFFFFF  }
0xc8: {  	(tm) =	ssettm $0x7FFFFFFF  }
0xc9: {  	_ =	shalt  }
tec
execute0_lowered:
.L_overlay_start_1:
0x0: {  	(tag) =	ssettag $0x1  }
0x1: {  	s1 =	srdreg.scid;
	s0 =	stileid.u32  }
0x2: {  	s5 =	rddreg [dreg:$0x0];
	s13 =	sand.u32 $0x1, s1;
	s30 =	sshll.u32 s0, $0x1  }
0x3: {  	s14 =	rddreg [dreg:$0x1];
	s15 =	sor.u32 s13, s30  }
0x4: {  	s2 =	simm.s32 $0x0;
	s1 =	rddreg [dreg:$0x2];
	s3 =	sshll.u32 s15, $0x6  }
0x5: {  	[smem:$0x7FF] =	sst s2;
	s3 =	sadd.s32 s3, s5  }
0x6: {  	_ =	strace $0x80000047;
	s4 =	sadd.s32 $0x20C00, s3;
	s3 =	simm.s32 $0x2  }
0x7: {  	[tilespmem:s2], [sflag:$0x2] =	stream.linear.gather [hbm4b:s4+s2], $0x180, $0x38;
	[tilespmem:$0x9200] =	vst v63  }
0x8: {  	_ =	swait.ge [sflag:s3], $0x180  }
0x9: {  	s6 =	simm.s32 $0x60;
	[sflag:s3] =	ssyncset.done $0x0  }
0xa: {  	s7 =	simm.s32 $0x200;
	s5 =	sadd.s32 $0xC00, s5;
	[sflag:s3] =	ssyncadd.s32 $0xFFFFFE80  }
0xb: {  	[tilespmem:s7], [sflag:$0x1] =	stream.indirect.gather [hbm4b:s5+s6], $0x80, s2, s6, $0xb8;
	[tilespmem:$0x9200] =	vst v63  }
0xc: {  	s8 =	simm.s32 $0x80;
	s9 =	simm.s32 $0x3200  }
0xd: {  	[tilespmem:s9], [sflag:$0x1] =	stream.indirect.gather [hbm4b:s5+s6], $0x80, s8, s6, $0xb8;
	[tilespmem:$0x9200] =	vst v63  }
0xe: {  	s10 =	simm.s32 $0x100;
	s11 =	simm.s32 $0x6200;
	s12 =	simm.s32 $0x1  }
0xf: {  	[tilespmem:s11], [sflag:$0x1] =	stream.indirect.gather [hbm4b:s5+s6], $0x80, s10, s6, $0xb8;
	[tilespmem:$0x9200] =	vst v63  }
0x10: {  	_ =	swait.ge [sflag:s12], $0x3000  }
0x11: {  	[sflag:s12] =	ssyncset.done $0x0  }
0x12: {  	s13 =	ssub.s32 $0x2, s13;
	[sflag:s12] =	ssyncadd.s32 $0xFFFFD000  }
0x13: {  	s16 =	sshrl.u32 s13, $0x1;
	_ =	swait.ge [sflag:s12], $0x3000  }
0x14: {  	s16 =	ssub.s32 s13, s16;
	[sflag:s12] =	ssyncset.done $0x0  }
0x15: {  	s31 =	smax.u32 s16, $0x1;
	[sflag:s12] =	ssyncadd.s32 $0xFFFFD000  }
0x16: {  	s15 =	smul.u32 $0x1200, s15;
	p0 =	sne.s32 s31, $0x1;
	_ =	swait.ge [sflag:s12], $0x3000  }
.Ltmp0:
0x17: {  	[sflag:s12] =	ssyncset.done $0x0;
	(pc) =	sbr.rel @!p0 .LBB2_2-.Ltmp0, $4  }
0x18: {  	s13 =	sadd.s32 s14, s15;
	[sflag:s12] =	ssyncadd.s32 $0xFFFFD000  }
0x19: {  	[hbm4b:s13+s2] =	stream.linear.scatter [tilespmem:s7], [sflag:$0x2], $0x9000, $0x38;
	[tilespmem:$0x9200] =	vst v63  }
0x1a: {  	_ =	swait.ge [sflag:s3], $0x9000  }
0x1b: {  	s14 =	sadd.s32 $0xFFFFFFFF, s31;
	[sflag:s3] =	ssyncset.done $0x0  }
.LBB2_1:
0x1c: {  	p0 =	sne.s32 s14, $0x1;
	s14 =	sadd.s32 $0xFFFFFFFF, s14;
	[sflag:s3] =	ssyncadd.s32 $0xFFFF7000  }
0x1d: {  	[tilespmem:s2], [sflag:$0x2] =	stream.linear.gather [hbm4b:s4+s2], $0x180, $0x38;
	[tilespmem:$0x9200] =	vst v63  }
0x1e: {  	_ =	swait.ge [sflag:s3], $0x180  }
0x1f: {  	[sflag:s3] =	ssyncset.done $0x0  }
0x20: {  	[sflag:s3] =	ssyncadd.s32 $0xFFFFFE80  }
0x21: {  	[tilespmem:s7], [sflag:$0x1] =	stream.indirect.gather [hbm4b:s5+s6], $0x80, s2, s6, $0xb8;
	[tilespmem:$0x9200] =	vst v63  }
0x22: {  	_ = 	snop  }
0x23: {  	[tilespmem:s9], [sflag:$0x1] =	stream.indirect.gather [hbm4b:s5+s6], $0x80, s8, s6, $0xb8;
	[tilespmem:$0x9200] =	vst v63  }
0x24: {  	_ = 	snop  }
0x25: {  	[tilespmem:s11], [sflag:$0x1] =	stream.indirect.gather [hbm4b:s5+s6], $0x80, s10, s6, $0xb8;
	[tilespmem:$0x9200] =	vst v63  }
0x26: {  	_ =	swait.ge [sflag:s12], $0x3000  }
0x27: {  	[sflag:s12] =	ssyncset.done $0x0  }
0x28: {  	[sflag:s12] =	ssyncadd.s32 $0xFFFFD000  }
0x29: {  	_ =	swait.ge [sflag:s12], $0x3000  }
0x2a: {  	[sflag:s12] =	ssyncset.done $0x0  }
0x2b: {  	[sflag:s12] =	ssyncadd.s32 $0xFFFFD000  }
0x2c: {  	_ =	swait.ge [sflag:s12], $0x3000  }
.Ltmp1:
0x2d: {  	[sflag:s12] =	ssyncset.done $0x0;
	(pc) =	sbr.rel @p0 .LBB2_1-.Ltmp1, $4  }
0x2e: {  	[sflag:s12] =	ssyncadd.s32 $0xFFFFD000  }
0x2f: {  	[hbm4b:s13+s2] =	stream.linear.scatter [tilespmem:s7], [sflag:$0x2], $0x9000, $0x38;
	[tilespmem:$0x9200] =	vst v63  }
0x30: {  	_ =	swait.ge [sflag:s3], $0x9000  }
0x31: {  	[sflag:s3] =	ssyncset.done $0x0  }
.LBB2_2:
0x32: {  	[sflag:s3] =	ssyncadd.s32 $0xFFFF7000  }
0x33: {  	_ =	sfence.sel $0x180000  }
0x34: {  	[bflag:$0x0] =	sbarrier.arrive $0xFFFF  }
0x35: {  	p0 =	sne.s32 s0, $0x0;
	_ =	strace $0x90000047  }
0x36: {  	s0 =	sadd.s32 @!p0 $0x100000, s1;
	[bflag:$0x2] =	sbarrier.arrive $0xFFFF  }
0x37: {  	[sflag:s0] =	ssyncadd.tile.s32 @!p0 $0x1;
	_ =	shalt  }
.Lfunc_end2:
_tile_overlayer_lowered:
.L_overlay_start_2:
0x38: {  	(tag) =	ssettag $0x2  }
0x39: {  	s0 =	rddreg [dreg:$0x0];
	s2 =	stileid.u32  }
0x3a: {  	s1 =	rddreg [dreg:$0x1];
	p0 =	sne.s32 s2, $0x0  }
0x3b: {  	s3 =	rddreg [dreg:$0x2];
	[bflag:$0x3] =	sbarrier.arrive $0xFFFF;
	s2 =	simm.s32 @!p0 $0x1C02  }
0x3c: {  	[timem:s3], [sflag:s2] =	dma.local @!p0 [hbm:s0], s1  }
0x3d: {  	s0 =	simm.s32 @!p0 $0x2  }
0x3e: {  	_ =	swait.ge @!p0 [sflag:s0], s1  }
0x3f: {  	s1 =	ssub.s32 @!p0 $0x0, s1;
	[sflag:s0] =	ssyncset.done @!p0 $0x0  }
0x40: {  	[sflag:s0] =	ssyncadd.s32 @!p0 s1  }
0x41: {  	[bflag:$0x3] =	sbarrier.arrive $0xFFFF  }
0x42: {  	_ =	shalt  }

</sc_bundles>
